<compile_context>
chip_gen: v7x
topology: tpu7x:2x2x1
jax: 0.10.2.dev20260603
libtpu: 0.0.44.dev20260713+nightly
codegen_flags: <defaults>
</compile_context>

<pallas_src>
import jax
import jax.numpy as jnp
from jax import lax
from jax.experimental import pallas as pl
from jax.experimental.pallas import tpu as pltpu
from jax.experimental.pallas import tpu_sc as plsc

N = 10000
F = 128
E = 320000
TWO_N = 2 * N

NC = 2
NS = 16
NW = NC * NS

NDUM = 8

E_PER_W = E // NW
CH_A = 2000
N_CH_A = E_PER_W // CH_A
RSTRIDE = 10256


def _sc_prep_body(src_hbm, dst_hbm, typ_hbm, degp_out, sp0, dp0, sp1, dp1, cnt_out,
                  src_v, dst_v, typ_v, src_w, dst_w, typ_w,
                  sb0, db0, sb1, db1, cnt_v, deg_v, semp0, semp1):
    c = lax.axis_index("c")
    s = lax.axis_index("s")
    wid = s * NC + c

    def zero_body(j, carry):
        deg_v[pl.ds(pl.multiple_of(j * 16, 16), 16)] = jnp.zeros((16,), jnp.float32)
        return carry

    lax.fori_loop(0, TWO_N // 16, zero_body, 0)

    ones16 = jnp.ones((16,), jnp.float32)
    cur0, cur1 = jnp.int32(0), jnp.int32(0)
    inbufs = ((src_v, dst_v, typ_v), (src_w, dst_w, typ_w))
    semps = (semp0, semp1)

    def in_start(c5, slot):
        base = pl.multiple_of(wid * E_PER_W + c5 * CH_A, 8)
        for hbm, buf in zip((src_hbm, dst_hbm, typ_hbm), inbufs[slot]):
            pltpu.async_copy(hbm.at[pl.ds(base, CH_A)], buf, semps[slot])

    def in_wait(c5, slot):
        base = pl.multiple_of(wid * E_PER_W + c5 * CH_A, 8)
        for hbm, buf in zip((src_hbm, dst_hbm, typ_hbm), inbufs[slot]):
            pltpu.make_async_copy(hbm.at[pl.ds(base, CH_A)], buf,
                                  semps[slot]).wait()

    in_start(0, 0)
    for c5 in range(N_CH_A):
        slot = c5 % 2
        in_wait(c5, slot)
        if c5 + 1 < N_CH_A:
            in_start(c5 + 1, 1 - slot)
        src_c, dst_c, typ_c = inbufs[slot]

        def body(j, carry, src_v=src_c, dst_v=dst_c, typ_v=typ_c):
            c0, c1 = carry
            sl = pl.ds(pl.multiple_of(j * 16, 16), 16)
            s16 = src_v[sl]
            d16 = dst_v[sl]
            t16 = typ_v[sl]
            m0 = t16 == 0
            plsc.store_compressed(sb0.at[pl.ds(c0, 16)], s16, mask=m0)
            plsc.store_compressed(db0.at[pl.ds(c0, 16)], d16, mask=m0)
            m1 = jnp.logical_not(m0)
            plsc.store_compressed(sb1.at[pl.ds(c1, 16)], s16, mask=m1)
            plsc.store_compressed(db1.at[pl.ds(c1, 16)], d16, mask=m1)
            plsc.addupdate_scatter(deg_v, [d16 * 2 + t16], ones16)
            n0 = jnp.sum(jnp.where(m0, 1, 0))
            return (c0 + n0, c1 + (16 - n0))

        cur0, cur1 = lax.fori_loop(0, CH_A // 16, body, (cur0, cur1))

    sfill = jnp.zeros((16,), jnp.int32)
    dfill = jnp.full((16,), N, jnp.int32)
    ftrue = sfill == 0

    def pad_fill(sb, db, cur):
        bound = ((cur + 255) >> 8) << 8
        nf = (bound - cur + 15) >> 4

        def fbody(i, carry):
            plsc.store_compressed(sb.at[pl.ds(cur + i * 16, 16)], sfill, mask=ftrue)
            plsc.store_compressed(db.at[pl.ds(cur + i * 16, 16)], dfill, mask=ftrue)
            return carry

        lax.fori_loop(0, nf, fbody, 0)
        return bound >> 8

    k0 = pad_fill(sb0, db0, cur0)
    k1 = pad_fill(sb1, db1, cur1)
    lane = lax.iota(jnp.int32, 16)
    cnt_v[pl.ds(0, 16)] = jnp.where(lane == 0, k0, jnp.where(lane == 1, k1, 0))

    rb = pl.multiple_of(wid * RSTRIDE, 8)
    pltpu.sync_copy(sb0, sp0.at[pl.ds(rb, RSTRIDE)])
    pltpu.sync_copy(db0, dp0.at[pl.ds(rb, RSTRIDE)])
    pltpu.sync_copy(sb1, sp1.at[pl.ds(rb, RSTRIDE)])
    pltpu.sync_copy(db1, dp1.at[pl.ds(rb, RSTRIDE)])
    pltpu.sync_copy(cnt_v, cnt_out.at[wid])
    pltpu.sync_copy(deg_v, degp_out.at[wid])


@jax.jit
def _sc_prep(src, dst, typ):
    mesh = plsc.VectorSubcoreMesh(core_axis_name="c", subcore_axis_name="s")
    fn = pl.kernel(
        _sc_prep_body,
        mesh=mesh,
        compiler_params=pltpu.CompilerParams(needs_layout_passes=False),
        out_type=[
            jax.ShapeDtypeStruct((NW, TWO_N), jnp.float32),
            jax.ShapeDtypeStruct((NW * RSTRIDE,), jnp.int32),
            jax.ShapeDtypeStruct((NW * RSTRIDE,), jnp.int32),
            jax.ShapeDtypeStruct((NW * RSTRIDE,), jnp.int32),
            jax.ShapeDtypeStruct((NW * RSTRIDE,), jnp.int32),
            jax.ShapeDtypeStruct((NW, 16), jnp.int32),
        ],
        scratch_types=[
            pltpu.VMEM((CH_A,), jnp.int32),
            pltpu.VMEM((CH_A,), jnp.int32),
            pltpu.VMEM((CH_A,), jnp.int32),
            pltpu.VMEM((CH_A,), jnp.int32),
            pltpu.VMEM((CH_A,), jnp.int32),
            pltpu.VMEM((CH_A,), jnp.int32),
            pltpu.VMEM((RSTRIDE,), jnp.int32),
            pltpu.VMEM((RSTRIDE,), jnp.int32),
            pltpu.VMEM((RSTRIDE,), jnp.int32),
            pltpu.VMEM((RSTRIDE,), jnp.int32),
            pltpu.VMEM((16,), jnp.int32),
            pltpu.VMEM((TWO_N,), jnp.float32),
            pltpu.SemaphoreType.DMA,
            pltpu.SemaphoreType.DMA,
        ],
    )
    return fn(src, dst, typ)


BN = 1000


def _tc_prep_body(degp_ref, x_ref, dinv_ref, y0_ref, y1_ref):
    deg = jnp.sum(degp_ref[...], axis=0) + 1.0
    dinv = lax.rsqrt(deg)
    dinv_ref[...] = dinv
    xb = x_ref[...]
    y0_ref[...] = dinv[:, 0:1] * xb
    y1_ref[...] = dinv[:, 1:2] * xb


@jax.jit
def _tc_prep(degp, x):
    return pl.pallas_call(
        _tc_prep_body,
        grid=(N // BN,),
        in_specs=[
            pl.BlockSpec((NW, BN, 2), lambda i: (0, i, 0)),
            pl.BlockSpec((BN, F), lambda i: (i, 0)),
        ],
        out_specs=[
            pl.BlockSpec((BN, 2), lambda i: (i, 0)),
            pl.BlockSpec((BN, F), lambda i: (i, 0)),
            pl.BlockSpec((BN, F), lambda i: (i, 0)),
        ],
        out_shape=[
            jax.ShapeDtypeStruct((N, 2), jnp.float32),
            jax.ShapeDtypeStruct((N, F), jnp.float32),
            jax.ShapeDtypeStruct((N, F), jnp.float32),
        ],
    )(degp, x)


CH_C = 64
NSLOT = 4
ZROWS = 624
ZTAIL = N - NS * ZROWS
ZCH = 48


def _sc_agg_body(y0, y1, sp0, dp0, sp1, dp1, cnt, qout, *scr):
    c = lax.axis_index("c")
    s = lax.axis_index("s")
    sixs = scr[0:NSLOT]
    dixs = scr[NSLOT:2 * NSLOT]
    rows = scr[2 * NSLOT:3 * NSLOT]
    cnt_v, zbuf, q_sh = scr[3 * NSLOT:3 * NSLOT + 3]
    semg = scr[3 * NSLOT + 3:4 * NSLOT + 3]
    sems = scr[4 * NSLOT + 3:5 * NSLOT + 3]
    semi = scr[5 * NSLOT + 3:6 * NSLOT + 3]

    z16 = jnp.zeros((16,), jnp.float32)

    def zb_body(r, carry):
        for k in range(F // 16):
            zbuf[r, pl.ds(k * 16, 16)] = z16
        return carry

    lax.fori_loop(0, ZCH, zb_body, 0)
    for kk in range(ZROWS // ZCH):
        zsl = pl.ds(pl.multiple_of(s * ZROWS + kk * ZCH, 8), ZCH)
        pltpu.sync_copy(zbuf, q_sh.at[zsl])

    @pl.when(s < ZTAIL // 8)
    def _():
        tsl = pl.ds(pl.multiple_of(NS * ZROWS + s * 8, 8), 8)
        pltpu.sync_copy(zbuf.at[pl.ds(0, 8)], q_sh.at[tsl])

    @pl.when(s == 2)
    def _():
        dsl = pl.ds(pl.multiple_of(N, 8), NDUM)
        pltpu.sync_copy(zbuf.at[pl.ds(0, NDUM)], q_sh.at[dsl])

    plsc.subcore_barrier()

    def region_loop(ysel, ssel, dsel, tt):
        for rr in range(2):
            r = s * 2 + rr
            pltpu.sync_copy(cnt.at[r], cnt_v)
            kmax2 = cnt_v[pl.ds(0, 16)][tt]
            rbase = r * RSTRIDE

            @pl.when(kmax2 > 0)
            def _():
                nch = kmax2 * NSLOT

                def idx_start(k, slot):
                    bp = pl.multiple_of(rbase + k * CH_C, 8)
                    pltpu.async_copy(ssel.at[pl.ds(bp, CH_C)], sixs[slot],
                                     semi[slot])
                    pltpu.async_copy(dsel.at[pl.ds(bp, CH_C)], dixs[slot],
                                     semi[slot])

                def idx_wait(k, slot):
                    bp = pl.multiple_of(rbase + k * CH_C, 8)
                    pltpu.make_async_copy(ssel.at[pl.ds(bp, CH_C)],
                                          sixs[slot], semi[slot]).wait()
                    pltpu.make_async_copy(dsel.at[pl.ds(bp, CH_C)],
                                          dixs[slot], semi[slot]).wait()

                for p in range(NSLOT - 1):
                    idx_start(p, p)
                    idx_wait(p, p)
                    pltpu.async_copy(ysel.at[sixs[p]], rows[p], semg[p])

                @pl.when(NSLOT - 1 < nch)
                def _():
                    idx_start(NSLOT - 1, NSLOT - 1)

                def group_body(k2, carry):
                    for b in range(NSLOT):
                        o = (b + NSLOT - 1) % NSLOT
                        k = k2 * NSLOT + b

                        pltpu.make_async_copy(
                            ysel.at[sixs[b]], rows[b], semg[b]).wait()
                        pltpu.async_copy(
                            rows[b], q_sh.at[dixs[b]], sems[b], add=True)

                        @pl.when(k >= 1)
                        def _():
                            pltpu.make_async_copy(
                                rows[o], q_sh.at[dixs[o]], sems[o]).wait()

                        @pl.when(k + NSLOT - 1 < nch)
                        def _():
                            idx_wait(k + NSLOT - 1, o)
                            pltpu.async_copy(ysel.at[sixs[o]], rows[o], semg[o])

                        @pl.when(k + NSLOT < nch)
                        def _():
                            idx_start(k + NSLOT, b)
                    return carry

                lax.fori_loop(0, kmax2, group_body, 0)
                pltpu.make_async_copy(
                    rows[NSLOT - 1], q_sh.at[dixs[NSLOT - 1]],
                    sems[NSLOT - 1]).wait()

    @pl.when(c == 0)
    def _():
        region_loop(y0, sp0, dp0, 0)

    @pl.when(c == 1)
    def _():
        region_loop(y1, sp1, dp1, 1)

    plsc.subcore_barrier()
    for kk in range(ZROWS // ZCH):
        zsl = pl.ds(pl.multiple_of(s * ZROWS + kk * ZCH, 8), ZCH)
        pltpu.sync_copy(q_sh.at[zsl], zbuf)
        pltpu.sync_copy(zbuf, qout.at[c].at[zsl])

    @pl.when(s < ZTAIL // 8)
    def _():
        tsl = pl.ds(pl.multiple_of(NS * ZROWS + s * 8, 8), 8)
        pltpu.sync_copy(q_sh.at[tsl], zbuf.at[pl.ds(0, 8)])
        pltpu.sync_copy(zbuf.at[pl.ds(0, 8)], qout.at[c].at[tsl])


@jax.jit
def _sc_agg(y0, y1, sp0, dp0, sp1, dp1, cnt):
    mesh = plsc.VectorSubcoreMesh(core_axis_name="c", subcore_axis_name="s")
    fn = pl.kernel(
        _sc_agg_body,
        mesh=mesh,
        compiler_params=pltpu.CompilerParams(needs_layout_passes=False),
        out_type=[jax.ShapeDtypeStruct((NC, N, F), jnp.float32)],
        scratch_types=(
            [pltpu.VMEM((CH_C,), jnp.int32)] * (2 * NSLOT)
            + [pltpu.VMEM((CH_C, F), jnp.float32)] * NSLOT
            + [
                pltpu.VMEM((16,), jnp.int32),
                pltpu.VMEM((ZCH, F), jnp.float32),
                pltpu.VMEM_SHARED((N + NDUM, F), jnp.float32),
            ]
            + [pltpu.SemaphoreType.DMA] * (3 * NSLOT)
        ),
    )
    return fn(y0, y1, sp0, dp0, sp1, dp1, cnt)


def _tc_final_body(x_ref, qn_ref, qd_ref, dinv_ref,
                   wn, bn, wd, bd, wsl, bsl, wg, bg, wdr, bdr, out_ref):
    xb = x_ref[...]
    d0 = dinv_ref[:, 0:1]
    d1 = dinv_ref[:, 1:2]
    pre_n = d0 * (qn_ref[0] + d0 * xb)
    pre_d = d1 * (qd_ref[0] + d1 * xb)

    def mm(a, w):
        return jnp.dot(a, w[...], preferred_element_type=jnp.float32)

    xn = mm(pre_n, wn) + bn[...]
    xd = mm(pre_d, wd) + bd[...]
    xx = mm(xb, wsl) + bsl[...]
    wgr = wg[...]
    z = (jnp.dot(xx, wgr[0:F, :], preferred_element_type=jnp.float32)
         + jnp.dot(xn, wgr[F:2 * F, :], preferred_element_type=jnp.float32)
         + jnp.dot(xd, wgr[2 * F:3 * F, :], preferred_element_type=jnp.float32)
         + bg[...])
    m = jnp.max(z, axis=-1, keepdims=True)
    ez = jnp.exp(z - m)
    sm = ez / jnp.sum(ez, axis=-1, keepdims=True)
    rr = lax.broadcasted_iota(jnp.int32, (F, F), 0)
    cc = lax.broadcasted_iota(jnp.int32, (F, F), 1)
    tri = (rr <= cc).astype(jnp.float32)
    gat = jnp.dot(sm, tri, preferred_element_type=jnp.float32)
    xdr = mm(pre_d, wdr) + bdr[...]
    out_ref[...] = xdr * gat + xx + xn


@jax.jit
def _tc_final(x, q2, dinv, wn, bn, wd, bd, wsl, bsl, wg, bg, wdr, bdr):
    wspec = lambda shape: pl.BlockSpec(shape, lambda i: tuple(0 for _ in shape))
    return pl.pallas_call(
        _tc_final_body,
        grid=(N // BN,),
        in_specs=[
            pl.BlockSpec((BN, F), lambda i: (i, 0)),
            pl.BlockSpec((1, BN, F), lambda i: (0, i, 0)),
            pl.BlockSpec((1, BN, F), lambda i: (1, i, 0)),
            pl.BlockSpec((BN, 2), lambda i: (i, 0)),
            wspec((F, F)), wspec((1, F)),
            wspec((F, F)), wspec((1, F)),
            wspec((F, F)), wspec((1, F)),
            wspec((3 * F, F)), wspec((1, F)),
            wspec((F, F)), wspec((1, F)),
        ],
        out_specs=pl.BlockSpec((BN, F), lambda i: (i, 0)),
        out_shape=jax.ShapeDtypeStruct((N, F), jnp.float32),
    )(x, q2, q2, dinv, wn, bn, wd, bd, wsl, bsl, wg, bg, wdr, bdr)


def kernel(x, edge_index, edge_type, W_n, b_n, W_d, b_d, W_sl, b_sl, W_gat, b_gat):
    src = edge_index[0].astype(jnp.int32)
    dst = edge_index[1].astype(jnp.int32)
    typ = edge_type.astype(jnp.int32)

    degp, sp0, dp0, sp1, dp1, cnt = _sc_prep(src, dst, typ)
    dinv, y0, y1 = _tc_prep(degp.reshape(NW, N, 2), x)
    (q2,) = _sc_agg(y0, y1, sp0, dp0, sp1, dp1, cnt)
    out = _tc_final(
        x, q2, dinv,
        W_n, b_n.reshape(1, F), W_d, b_d.reshape(1, F),
        W_sl, b_sl.reshape(1, F), W_gat, b_gat.reshape(1, F),
        W_d[:, ::-1], b_d[::-1].reshape(1, F),
    )
    return out

# --- scband reference (transcript-rebuilt; emitter-appended) ---
"""Pipeline reference for scband-ogcnconv-10496900071975 (READ-ONLY COPY).

The authoritative reference and input builder live on the scoring server;
editing this copy changes nothing except your own understanding.
"""

import jax, jax.numpy as jnp
import numpy as np

N = 10000
IN_F = 128
OUT_F = 128
E = 320000


def _init_w(key, shape, fan_in):
    bound = 1.0 / np.sqrt(fan_in)
    return jax.random.uniform(key, shape, minval=-bound, maxval=bound, dtype=jnp.float32)


def setup_inputs(seed: int = 0) -> dict:
    key = jax.random.key(seed)
    ks = jax.random.split(key, 12)
    x = jax.random.normal(ks[0], (N, IN_F), dtype=jnp.float32)
    edge_index = jax.random.randint(ks[1], (2, E), 0, N).astype(jnp.int64)
    edge_type = jax.random.randint(ks[2], (E,), 0, 2).astype(jnp.int64)
    W_n = _init_w(ks[3], (IN_F, OUT_F), IN_F)
    b_n = _init_w(ks[4], (OUT_F,), IN_F)
    W_d = _init_w(ks[5], (IN_F, OUT_F), IN_F)
    b_d = _init_w(ks[6], (OUT_F,), IN_F)
    W_sl = _init_w(ks[7], (IN_F, OUT_F), IN_F)
    b_sl = _init_w(ks[8], (OUT_F,), IN_F)
    W_gat = _init_w(ks[9], (3 * OUT_F, OUT_F), 3 * OUT_F)
    b_gat = _init_w(ks[10], (OUT_F,), 3 * OUT_F)
    return {"x": x, "edge_index": edge_index, "edge_type": edge_type,
            "W_n": W_n, "b_n": b_n, "W_d": W_d, "b_d": b_d,
            "W_sl": W_sl, "b_sl": b_sl, "W_gat": W_gat, "b_gat": b_gat}


def _gcn_conv(x, src, dst, ew, W, b):
    # PyG GCNConv: x' = D^{-1/2} (A+I) D^{-1/2} X W + b (self loops already
    # appended to src/dst; edge masking done via 0/1 edge weights, which is
    # mathematically identical to removing edges, incl. degree computation).
    h = x @ W
    deg = jnp.zeros((N,), dtype=jnp.float32).at[dst].add(ew)
    dinv = jnp.where(deg > 0, jax.lax.rsqrt(jnp.maximum(deg, 1e-12)), 0.0)
    norm = dinv[src] * ew * dinv[dst]
    msg = h[src] * norm[:, None]
    agg = jnp.zeros((N, OUT_F), dtype=jnp.float32).at[dst].add(msg)
    return agg + b


def reference(x, edge_index, edge_type, W_n, b_n, W_d, b_d, W_sl, b_sl, W_gat, b_gat):
    src = edge_index[0]
    dst = edge_index[1]
    loop = jnp.arange(N, dtype=src.dtype)
    src_a = jnp.concatenate([src, loop])
    dst_a = jnp.concatenate([dst, loop])
    ones_loop = jnp.ones((N,), dtype=jnp.float32)
    ew0 = jnp.concatenate([(edge_type == 0).astype(jnp.float32), ones_loop])
    ew1 = jnp.concatenate([(edge_type == 1).astype(jnp.float32), ones_loop])
    x_new_x = x @ W_sl + b_sl
    x_new_n = _gcn_conv(x, src_a, dst_a, ew0, W_n, b_n)
    x_new_d = _gcn_conv(x, src_a, dst_a, ew1, W_d, b_d)
    cat = jnp.concatenate([x_new_x, x_new_n, x_new_d], axis=1)
    gat_raw = jax.nn.softmax(cat @ W_gat + b_gat, axis=-1)
    gat = jnp.cumsum(gat_raw, axis=-1)
    out = x_new_d[:, ::-1] * gat + x_new_x + x_new_n
    return out

if __name__ == "__main__":
    import jax
    _d = setup_inputs()
    print(jax.jit(kernel)(*tuple(_d.values())))

</pallas_src>

<mosaic_0001>
#map = affine_map<(d0, d1) -> (0)>
#map1 = affine_map<(d0, d1) -> (0, 0)>
module attributes {stable_mosaic.version = 14 : i64} {
  func.func @_sc_prep_body(%arg0: i32, %arg1: i32, %arg2: memref<320000xi32, #tpu.memory_space<hbm>>, %arg3: memref<320000xi32, #tpu.memory_space<hbm>>, %arg4: memref<320000xi32, #tpu.memory_space<hbm>>, %arg5: memref<32x20000xf32, #tpu.memory_space<hbm>>, %arg6: memref<328192xi32, #tpu.memory_space<hbm>>, %arg7: memref<328192xi32, #tpu.memory_space<hbm>>, %arg8: memref<328192xi32, #tpu.memory_space<hbm>>, %arg9: memref<328192xi32, #tpu.memory_space<hbm>>, %arg10: memref<32x16xi32, #tpu.memory_space<hbm>>, %arg11: memref<2000xi32, #tpu.memory_space<vmem>>, %arg12: memref<2000xi32, #tpu.memory_space<vmem>>, %arg13: memref<2000xi32, #tpu.memory_space<vmem>>, %arg14: memref<2000xi32, #tpu.memory_space<vmem>>, %arg15: memref<2000xi32, #tpu.memory_space<vmem>>, %arg16: memref<2000xi32, #tpu.memory_space<vmem>>, %arg17: memref<10256xi32, #tpu.memory_space<vmem>>, %arg18: memref<10256xi32, #tpu.memory_space<vmem>>, %arg19: memref<10256xi32, #tpu.memory_space<vmem>>, %arg20: memref<10256xi32, #tpu.memory_space<vmem>>, %arg21: memref<16xi32, #tpu.memory_space<vmem>>, %arg22: memref<20000xf32, #tpu.memory_space<vmem>>, %arg23: memref<!tpu.dma_semaphore, #tpu.memory_space<semaphore_mem>>, %arg24: memref<!tpu.dma_semaphore, #tpu.memory_space<semaphore_mem>>) attributes {dimension_semantics = [#tpu.dimension_semantics<core_parallel>, #tpu.dimension_semantics<subcore_parallel>], iteration_bounds = array<i64: 2, 16>, scalar_prefetch = 0 : i64, scratch_operands = 14 : i64, tpu.core_type = #tpu.core_type<sc_vector_subcore>, window_params = [{transform_indices = #map}, {transform_indices = #map}, {transform_indices = #map}, {transform_indices = #map1}, {transform_indices = #map}, {transform_indices = #map}, {transform_indices = #map}, {transform_indices = #map}, {transform_indices = #map1}]} {
    %mul3A = arith.constant 2 : i32
    %mul3A_0 = arith.muli %arg1, %mul3A : i32
    %add3A = arith.addi %mul3A_0, %arg0 : i32
    %scan3A = arith.constant 0 : i32
    %scan3A_1 = arith.constant 0 : i32
    %scan3A_2 = arith.constant 1250 : i32
    %scan3A_3 = arith.addi %scan3A_1, %scan3A_2 : i32
    %scan3A_4 = arith.constant 1 : i32
    scf.for %scan3A_208 = %scan3A_1 to %scan3A_3 step %scan3A_4  : i32 {
      %broadcast_in_dim3A_209 = arith.constant 0.000000e+00 : f32
      %broadcast_in_dim3A_210 = vector.broadcast %broadcast_in_dim3A_209 : f32 to vector<16xf32>
      %mul3A_211 = arith.constant 16 : i32
      %mul3A_212 = arith.muli %scan3A_208, %mul3A_211 : i32
      %multiple_of3A_213 = tpu.assume_multiple %mul3A_212, 16 : i32
      %swap3A_214 = arith.index_cast %multiple_of3A_213 : i32 to index
      %swap3A_215 = tpu.vector_load %arg22[%swap3A_214] {strides = array<i32>} : memref<20000xf32, #tpu.memory_space<vmem>>, vector<16xf32>,
      tpu.vector_store %arg22[%swap3A_214], %broadcast_in_dim3A_210 {strides = array<i32>} : memref<20000xf32, #tpu.memory_space<vmem>>, vector<16xf32>,
    }
    %scan3A_5 = arith.constant 1250 : i32
    %broadcast_in_dim3A = arith.constant 1.000000e+00 : f32
    %broadcast_in_dim3A_6 = vector.broadcast %broadcast_in_dim3A : f32 to vector<16xf32>
    %mul3A_7 = arith.constant 10000 : i32
    %mul3A_8 = arith.muli %add3A, %mul3A_7 : i32
    %add3A_9 = arith.constant 0 : i32
    %add3A_10 = arith.addi %mul3A_8, %add3A_9 : i32
    %multiple_of3A = tpu.assume_multiple %add3A_10, 8 : i32
    %dma_start3A = tpu.memref_slice %arg2[%multiple_of3A] : memref<320000xi32, #tpu.memory_space<hbm>> -> memref<2000xi32, #tpu.memory_space<hbm>>
    %dma_start3A_11 = tpu.memref_slice %arg2[%multiple_of3A] : memref<320000xi32, #tpu.memory_space<hbm>> -> memref<2000xi32, #tpu.memory_space<hbm>>
    tpu.enqueue_dma source(%dma_start3A_11 : memref<2000xi32, #tpu.memory_space<hbm>>) target(%arg11 : memref<2000xi32, #tpu.memory_space<vmem>>) target_semaphore(%arg23 : memref<!tpu.dma_semaphore, #tpu.memory_space<semaphore_mem>>)
    %dma_start3A_12 = tpu.memref_slice %arg3[%multiple_of3A] : memref<320000xi32, #tpu.memory_space<hbm>> -> memref<2000xi32, #tpu.memory_space<hbm>>
    %dma_start3A_13 = tpu.memref_slice %arg3[%multiple_of3A] : memref<320000xi32, #tpu.memory_space<hbm>> -> memref<2000xi32, #tpu.memory_space<hbm>>
    tpu.enqueue_dma source(%dma_start3A_13 : memref<2000xi32, #tpu.memory_space<hbm>>) target(%arg12 : memref<2000xi32, #tpu.memory_space<vmem>>) target_semaphore(%arg23 : memref<!tpu.dma_semaphore, #tpu.memory_space<semaphore_mem>>)
    %dma_start3A_14 = tpu.memref_slice %arg4[%multiple_of3A] : memref<320000xi32, #tpu.memory_space<hbm>> -> memref<2000xi32, #tpu.memory_space<hbm>>
    %dma_start3A_15 = tpu.memref_slice %arg4[%multiple_of3A] : memref<320000xi32, #tpu.memory_space<hbm>> -> memref<2000xi32, #tpu.memory_space<hbm>>
    tpu.enqueue_dma source(%dma_start3A_15 : memref<2000xi32, #tpu.memory_space<hbm>>) target(%arg13 : memref<2000xi32, #tpu.memory_space<vmem>>) target_semaphore(%arg23 : memref<!tpu.dma_semaphore, #tpu.memory_space<semaphore_mem>>)
    %mul3A_16 = arith.constant 10000 : i32
    %mul3A_17 = arith.muli %add3A, %mul3A_16 : i32
    %add3A_18 = arith.constant 0 : i32
    %add3A_19 = arith.addi %mul3A_17, %add3A_18 : i32
    %multiple_of3A_20 = tpu.assume_multiple %add3A_19, 8 : i32
    %dma_wait3A = tpu.memref_slice %arg2[%multiple_of3A_20] : memref<320000xi32, #tpu.memory_space<hbm>> -> memref<2000xi32, #tpu.memory_space<hbm>>
    %dma_wait3A_21 = tpu.memref_slice %arg2[%multiple_of3A_20] : memref<320000xi32, #tpu.memory_space<hbm>> -> memref<2000xi32, #tpu.memory_space<hbm>>
    tpu.wait_dma2 semaphore(%arg23 : memref<!tpu.dma_semaphore, #tpu.memory_space<semaphore_mem>>) src(%dma_wait3A_21 : memref<2000xi32, #tpu.memory_space<hbm>>) dst(%arg11 : memref<2000xi32, #tpu.memory_space<vmem>>)
    %dma_wait3A_22 = tpu.memref_slice %arg3[%multiple_of3A_20] : memref<320000xi32, #tpu.memory_space<hbm>> -> memref<2000xi32, #tpu.memory_space<hbm>>
    %dma_wait3A_23 = tpu.memref_slice %arg3[%multiple_of3A_20] : memref<320000xi32, #tpu.memory_space<hbm>> -> memref<2000xi32, #tpu.memory_space<hbm>>
    tpu.wait_dma2 semaphore(%arg23 : memref<!tpu.dma_semaphore, #tpu.memory_space<semaphore_mem>>) src(%dma_wait3A_23 : memref<2000xi32, #tpu.memory_space<hbm>>) dst(%arg12 : memref<2000xi32, #tpu.memory_space<vmem>>)
    %dma_wait3A_24 = tpu.memref_slice %arg4[%multiple_of3A_20] : memref<320000xi32, #tpu.memory_space<hbm>> -> memref<2000xi32, #tpu.memory_space<hbm>>
    %dma_wait3A_25 = tpu.memref_slice %arg4[%multiple_of3A_20] : memref<320000xi32, #tpu.memory_space<hbm>> -> memref<2000xi32, #tpu.memory_space<hbm>>
    tpu.wait_dma2 semaphore(%arg23 : memref<!tpu.dma_semaphore, #tpu.memory_space<semaphore_mem>>) src(%dma_wait3A_25 : memref<2000xi32, #tpu.memory_space<hbm>>) dst(%arg13 : memref<2000xi32, #tpu.memory_space<vmem>>)
    %mul3A_26 = arith.constant 10000 : i32
    %mul3A_27 = arith.muli %add3A, %mul3A_26 : i32
    %add3A_28 = arith.constant 2000 : i32
    %add3A_29 = arith.addi %mul3A_27, %add3A_28 : i32
    %multiple_of3A_30 = tpu.assume_multiple %add3A_29, 8 : i32
    %dma_start3A_31 = tpu.memref_slice %arg2[%multiple_of3A_30] : memref<320000xi32, #tpu.memory_space<hbm>> -> memref<2000xi32, #tpu.memory_space<hbm>>
    %dma_start3A_32 = tpu.memref_slice %arg2[%multiple_of3A_30] : memref<320000xi32, #tpu.memory_space<hbm>> -> memref<2000xi32, #tpu.memory_space<hbm>>
    tpu.enqueue_dma source(%dma_start3A_32 : memref<2000xi32, #tpu.memory_space<hbm>>) target(%arg14 : memref<2000xi32, #tpu.memory_space<vmem>>) target_semaphore(%arg24 : memref<!tpu.dma_semaphore, #tpu.memory_space<semaphore_mem>>)
    %dma_start3A_33 = tpu.memref_slice %arg3[%multiple_of3A_30] : memref<320000xi32, #tpu.memory_space<hbm>> -> memref<2000xi32, #tpu.memory_space<hbm>>
    %dma_start3A_34 = tpu.memref_slice %arg3[%multiple_of3A_30] : memref<320000xi32, #tpu.memory_space<hbm>> -> memref<2000xi32, #tpu.memory_space<hbm>>
    tpu.enqueue_dma source(%dma_start3A_34 : memref<2000xi32, #tpu.memory_space<hbm>>) target(%arg15 : memref<2000xi32, #tpu.memory_space<vmem>>) target_semaphore(%arg24 : memref<!tpu.dma_semaphore, #tpu.memory_space<semaphore_mem>>)
    %dma_start3A_35 = tpu.memref_slice %arg4[%multiple_of3A_30] : memref<320000xi32, #tpu.memory_space<hbm>> -> memref<2000xi32, #tpu.memory_space<hbm>>
    %dma_start3A_36 = tpu.memref_slice %arg4[%multiple_of3A_30] : memref<320000xi32, #tpu.memory_space<hbm>> -> memref<2000xi32, #tpu.memory_space<hbm>>
    tpu.enqueue_dma source(%dma_start3A_36 : memref<2000xi32, #tpu.memory_space<hbm>>) target(%arg16 : memref<2000xi32, #tpu.memory_space<vmem>>) target_semaphore(%arg24 : memref<!tpu.dma_semaphore, #tpu.memory_space<semaphore_mem>>)
    %scan3A_37 = arith.constant 0 : i32
    %scan3A_38 = arith.constant 0 : i32
    %scan3A_39 = arith.constant 0 : i32
    %scan3A_40 = arith.constant 125 : i32
    %scan3A_41 = arith.addi %scan3A_39, %scan3A_40 : i32
    %scan3A_42 = arith.constant 1 : i32
    %scan3A_43:2 = scf.for %scan3A_208 = %scan3A_39 to %scan3A_41 step %scan3A_42 iter_args(%scan3A_209 = %scan3A_37, %scan3A_210 = %scan3A_38) -> (i32, i32)  : i32 {
      %mul3A_211 = arith.constant 16 : i32
      %mul3A_212 = arith.muli %scan3A_208, %mul3A_211 : i32
      %multiple_of3A_213 = tpu.assume_multiple %mul3A_212, 16 : i32
      %get3A = arith.index_cast %multiple_of3A_213 : i32 to index
      %get3A_214 = tpu.vector_load %arg11[%get3A] {strides = array<i32>} : memref<2000xi32, #tpu.memory_space<vmem>>, vector<16xi32>,
      %get3A_215 = arith.index_cast %multiple_of3A_213 : i32 to index
      %get3A_216 = tpu.vector_load %arg12[%get3A_215] {strides = array<i32>} : memref<2000xi32, #tpu.memory_space<vmem>>, vector<16xi32>,
      %get3A_217 = arith.index_cast %multiple_of3A_213 : i32 to index
      %get3A_218 = tpu.vector_load %arg13[%get3A_217] {strides = array<i32>} : memref<2000xi32, #tpu.memory_space<vmem>>, vector<16xi32>,
      %eq3A_219 = arith.constant 0 : i32
      %eq3A_220 = vector.broadcast %eq3A_219 : i32 to vector<16xi32>
      %eq3A_221 = arith.cmpi eq, %get3A_218, %eq3A_220 : vector<16xi32>
      %swap3A_222 = arith.index_cast %scan3A_209 : i32 to index
      %swap3A_223 = tpu.vector_load %arg17[%swap3A_222] masked %eq3A_221 {strides = array<i32>} : memref<10256xi32, #tpu.memory_space<vmem>>, vector<16xi32>, vector<16xi1>
      tpu.vector_store %arg17[%swap3A_222], %get3A_214 masked %eq3A_221 {strides = array<i32>} : memref<10256xi32, #tpu.memory_space<vmem>>, vector<16xi32>, vector<16xi1>
      %swap3A_224 = arith.index_cast %scan3A_209 : i32 to index
      %swap3A_225 = tpu.vector_load %arg18[%swap3A_224] masked %eq3A_221 {strides = array<i32>} : memref<10256xi32, #tpu.memory_space<vmem>>, vector<16xi32>, vector<16xi1>
      tpu.vector_store %arg18[%swap3A_224], %get3A_216 masked %eq3A_221 {strides = array<i32>} : memref<10256xi32, #tpu.memory_space<vmem>>, vector<16xi32>, vector<16xi1>
      %not3A = arith.constant dense<true> : vector<16xi1>
      %not3A_226 = arith.xori %eq3A_221, %not3A : vector<16xi1>
      %swap3A_227 = arith.index_cast %scan3A_210 : i32 to index
      %swap3A_228 = tpu.vector_load %arg19[%swap3A_227] masked %not3A_226 {strides = array<i32>} : memref<10256xi32, #tpu.memory_space<vmem>>, vector<16xi32>, vector<16xi1>
      tpu.vector_store %arg19[%swap3A_227], %get3A_214 masked %not3A_226 {strides = array<i32>} : memref<10256xi32, #tpu.memory_space<vmem>>, vector<16xi32>, vector<16xi1>
      %swap3A_229 = arith.index_cast %scan3A_210 : i32 to index
      %swap3A_230 = tpu.vector_load %arg20[%swap3A_229] masked %not3A_226 {strides = array<i32>} : memref<10256xi32, #tpu.memory_space<vmem>>, vector<16xi32>, vector<16xi1>
      tpu.vector_store %arg20[%swap3A_229], %get3A_216 masked %not3A_226 {strides = array<i32>} : memref<10256xi32, #tpu.memory_space<vmem>>, vector<16xi32>, vector<16xi1>
      %mul3A_231 = arith.constant 2 : i32
      %mul3A_232 = vector.broadcast %mul3A_231 : i32 to vector<16xi32>
      %mul3A_233 = arith.muli %get3A_216, %mul3A_232 : vector<16xi32>
      %add3A_234 = arith.addi %mul3A_233, %get3A_218 : vector<16xi32>
      tpu.vector_store_idx %arg22[%add3A_234], %broadcast_in_dim3A_6 {add = true} : memref<20000xf32, #tpu.memory_space<vmem>>[vector<16xi32>], vector<16xf32>,
      %jit3A_235 = arith.constant 1 : i32
      %jit3A_236 = arith.constant 0 : i32
      %broadcast_in_dim3A_237 = vector.broadcast %jit3A_235 : i32 to vector<16xi32>
      %broadcast_in_dim3A_238 = vector.broadcast %jit3A_236 : i32 to vector<16xi32>
      %select_n3A_239 = arith.select %eq3A_221, %broadcast_in_dim3A_237, %broadcast_in_dim3A_238 : vector<16xi1>, vector<16xi32>
      %reduce_sum3A = arith.constant true
      %reduce_sum3A_240 = vector.broadcast %reduce_sum3A : i1 to vector<16xi1>
      %reduce_sum3A_241 = tpu.scan <sum>, %select_n3A_239 masked %reduce_sum3A_240 : vector<16xi32>, vector<16xi1> -> vector<16xi32>
      %reduce_sum3A_242 = vector.extract %reduce_sum3A_241[15] : i32 from vector<16xi32>
      %add3A_243 = arith.addi %scan3A_209, %reduce_sum3A_242 : i32
      %sub3A_244 = arith.constant 16 : i32
      %sub3A_245 = arith.subi %sub3A_244, %reduce_sum3A_242 : i32
      %add3A_246 = arith.addi %scan3A_210, %sub3A_245 : i32
      scf.yield %add3A_243, %add3A_246 : i32, i32
    }
    %scan3A_44 = arith.constant 125 : i32
    %mul3A_45 = arith.constant 10000 : i32
    %mul3A_46 = arith.muli %add3A, %mul3A_45 : i32
    %add3A_47 = arith.constant 2000 : i32
    %add3A_48 = arith.addi %mul3A_46, %add3A_47 : i32
    %multiple_of3A_49 = tpu.assume_multiple %add3A_48, 8 : i32
    %dma_wait3A_50 = tpu.memref_slice %arg2[%multiple_of3A_49] : memref<320000xi32, #tpu.memory_space<hbm>> -> memref<2000xi32, #tpu.memory_space<hbm>>
    %dma_wait3A_51 = tpu.memref_slice %arg2[%multiple_of3A_49] : memref<320000xi32, #tpu.memory_space<hbm>> -> memref<2000xi32, #tpu.memory_space<hbm>>
    tpu.wait_dma2 semaphore(%arg24 : memref<!tpu.dma_semaphore, #tpu.memory_space<semaphore_mem>>) src(%dma_wait3A_51 : memref<2000xi32, #tpu.memory_space<hbm>>) dst(%arg14 : memref<2000xi32, #tpu.memory_space<vmem>>)
    %dma_wait3A_52 = tpu.memref_slice %arg3[%multiple_of3A_49] : memref<320000xi32, #tpu.memory_space<hbm>> -> memref<2000xi32, #tpu.memory_space<hbm>>
    %dma_wait3A_53 = tpu.memref_slice %arg3[%multiple_of3A_49] : memref<320000xi32, #tpu.memory_space<hbm>> -> memref<2000xi32, #tpu.memory_space<hbm>>
    tpu.wait_dma2 semaphore(%arg24 : memref<!tpu.dma_semaphore, #tpu.memory_space<semaphore_mem>>) src(%dma_wait3A_53 : memref<2000xi32, #tpu.memory_space<hbm>>) dst(%arg15 : memref<2000xi32, #tpu.memory_space<vmem>>)
    %dma_wait3A_54 = tpu.memref_slice %arg4[%multiple_of3A_49] : memref<320000xi32, #tpu.memory_space<hbm>> -> memref<2000xi32, #tpu.memory_space<hbm>>
    %dma_wait3A_55 = tpu.memref_slice %arg4[%multiple_of3A_49] : memref<320000xi32, #tpu.memory_space<hbm>> -> memref<2000xi32, #tpu.memory_space<hbm>>
    tpu.wait_dma2 semaphore(%arg24 : memref<!tpu.dma_semaphore, #tpu.memory_space<semaphore_mem>>) src(%dma_wait3A_55 : memref<2000xi32, #tpu.memory_space<hbm>>) dst(%arg16 : memref<2000xi32, #tpu.memory_space<vmem>>)
    %mul3A_56 = arith.constant 10000 : i32
    %mul3A_57 = arith.muli %add3A, %mul3A_56 : i32
    %add3A_58 = arith.constant 4000 : i32
    %add3A_59 = arith.addi %mul3A_57, %add3A_58 : i32
    %multiple_of3A_60 = tpu.assume_multiple %add3A_59, 8 : i32
    %dma_start3A_61 = tpu.memref_slice %arg2[%multiple_of3A_60] : memref<320000xi32, #tpu.memory_space<hbm>> -> memref<2000xi32, #tpu.memory_space<hbm>>
    %dma_start3A_62 = tpu.memref_slice %arg2[%multiple_of3A_60] : memref<320000xi32, #tpu.memory_space<hbm>> -> memref<2000xi32, #tpu.memory_space<hbm>>
    tpu.enqueue_dma source(%dma_start3A_62 : memref<2000xi32, #tpu.memory_space<hbm>>) target(%arg11 : memref<2000xi32, #tpu.memory_space<vmem>>) target_semaphore(%arg23 : memref<!tpu.dma_semaphore, #tpu.memory_space<semaphore_mem>>)
    %dma_start3A_63 = tpu.memref_slice %arg3[%multiple_of3A_60] : memref<320000xi32, #tpu.memory_space<hbm>> -> memref<2000xi32, #tpu.memory_space<hbm>>
    %dma_start3A_64 = tpu.memref_slice %arg3[%multiple_of3A_60] : memref<320000xi32, #tpu.memory_space<hbm>> -> memref<2000xi32, #tpu.memory_space<hbm>>
    tpu.enqueue_dma source(%dma_start3A_64 : memref<2000xi32, #tpu.memory_space<hbm>>) target(%arg12 : memref<2000xi32, #tpu.memory_space<vmem>>) target_semaphore(%arg23 : memref<!tpu.dma_semaphore, #tpu.memory_space<semaphore_mem>>)
    %dma_start3A_65 = tpu.memref_slice %arg4[%multiple_of3A_60] : memref<320000xi32, #tpu.memory_space<hbm>> -> memref<2000xi32, #tpu.memory_space<hbm>>
    %dma_start3A_66 = tpu.memref_slice %arg4[%multiple_of3A_60] : memref<320000xi32, #tpu.memory_space<hbm>> -> memref<2000xi32, #tpu.memory_space<hbm>>
    tpu.enqueue_dma source(%dma_start3A_66 : memref<2000xi32, #tpu.memory_space<hbm>>) target(%arg13 : memref<2000xi32, #tpu.memory_space<vmem>>) target_semaphore(%arg23 : memref<!tpu.dma_semaphore, #tpu.memory_space<semaphore_mem>>)
    %scan3A_67 = arith.constant 0 : i32
    %scan3A_68 = arith.constant 125 : i32
    %scan3A_69 = arith.addi %scan3A_67, %scan3A_68 : i32
    %scan3A_70 = arith.constant 1 : i32
    %scan3A_71:2 = scf.for %scan3A_208 = %scan3A_67 to %scan3A_69 step %scan3A_70 iter_args(%scan3A_209 = %scan3A_43#0, %scan3A_210 = %scan3A_43#1) -> (i32, i32)  : i32 {
      %mul3A_211 = arith.constant 16 : i32
      %mul3A_212 = arith.muli %scan3A_208, %mul3A_211 : i32
      %multiple_of3A_213 = tpu.assume_multiple %mul3A_212, 16 : i32
      %get3A = arith.index_cast %multiple_of3A_213 : i32 to index
      %get3A_214 = tpu.vector_load %arg14[%get3A] {strides = array<i32>} : memref<2000xi32, #tpu.memory_space<vmem>>, vector<16xi32>,
      %get3A_215 = arith.index_cast %multiple_of3A_213 : i32 to index
      %get3A_216 = tpu.vector_load %arg15[%get3A_215] {strides = array<i32>} : memref<2000xi32, #tpu.memory_space<vmem>>, vector<16xi32>,
      %get3A_217 = arith.index_cast %multiple_of3A_213 : i32 to index
      %get3A_218 = tpu.vector_load %arg16[%get3A_217] {strides = array<i32>} : memref<2000xi32, #tpu.memory_space<vmem>>, vector<16xi32>,
      %eq3A_219 = arith.constant 0 : i32
      %eq3A_220 = vector.broadcast %eq3A_219 : i32 to vector<16xi32>
      %eq3A_221 = arith.cmpi eq, %get3A_218, %eq3A_220 : vector<16xi32>
      %swap3A_222 = arith.index_cast %scan3A_209 : i32 to index
      %swap3A_223 = tpu.vector_load %arg17[%swap3A_222] masked %eq3A_221 {strides = array<i32>} : memref<10256xi32, #tpu.memory_space<vmem>>, vector<16xi32>, vector<16xi1>
      tpu.vector_store %arg17[%swap3A_222], %get3A_214 masked %eq3A_221 {strides = array<i32>} : memref<10256xi32, #tpu.memory_space<vmem>>, vector<16xi32>, vector<16xi1>
      %swap3A_224 = arith.index_cast %scan3A_209 : i32 to index
      %swap3A_225 = tpu.vector_load %arg18[%swap3A_224] masked %eq3A_221 {strides = array<i32>} : memref<10256xi32, #tpu.memory_space<vmem>>, vector<16xi32>, vector<16xi1>
      tpu.vector_store %arg18[%swap3A_224], %get3A_216 masked %eq3A_221 {strides = array<i32>} : memref<10256xi32, #tpu.memory_space<vmem>>, vector<16xi32>, vector<16xi1>
      %not3A = arith.constant dense<true> : vector<16xi1>
      %not3A_226 = arith.xori %eq3A_221, %not3A : vector<16xi1>
      %swap3A_227 = arith.index_cast %scan3A_210 : i32 to index
      %swap3A_228 = tpu.vector_load %arg19[%swap3A_227] masked %not3A_226 {strides = array<i32>} : memref<10256xi32, #tpu.memory_space<vmem>>, vector<16xi32>, vector<16xi1>
      tpu.vector_store %arg19[%swap3A_227], %get3A_214 masked %not3A_226 {strides = array<i32>} : memref<10256xi32, #tpu.memory_space<vmem>>, vector<16xi32>, vector<16xi1>
      %swap3A_229 = arith.index_cast %scan3A_210 : i32 to index
      %swap3A_230 = tpu.vector_load %arg20[%swap3A_229] masked %not3A_226 {strides = array<i32>} : memref<10256xi32, #tpu.memory_space<vmem>>, vector<16xi32>, vector<16xi1>
      tpu.vector_store %arg20[%swap3A_229], %get3A_216 masked %not3A_226 {strides = array<i32>} : memref<10256xi32, #tpu.memory_space<vmem>>, vector<16xi32>, vector<16xi1>
      %mul3A_231 = arith.constant 2 : i32
      %mul3A_232 = vector.broadcast %mul3A_231 : i32 to vector<16xi32>
      %mul3A_233 = arith.muli %get3A_216, %mul3A_232 : vector<16xi32>
      %add3A_234 = arith.addi %mul3A_233, %get3A_218 : vector<16xi32>
      tpu.vector_store_idx %arg22[%add3A_234], %broadcast_in_dim3A_6 {add = true} : memref<20000xf32, #tpu.memory_space<vmem>>[vector<16xi32>], vector<16xf32>,
      %jit3A_235 = arith.constant 1 : i32
      %jit3A_236 = arith.constant 0 : i32
      %broadcast_in_dim3A_237 = vector.broadcast %jit3A_235 : i32 to vector<16xi32>
      %broadcast_in_dim3A_238 = vector.broadcast %jit3A_236 : i32 to vector<16xi32>
      %select_n3A_239 = arith.select %eq3A_221, %broadcast_in_dim3A_237, %broadcast_in_dim3A_238 : vector<16xi1>, vector<16xi32>
      %reduce_sum3A = arith.constant true
      %reduce_sum3A_240 = vector.broadcast %reduce_sum3A : i1 to vector<16xi1>
      %reduce_sum3A_241 = tpu.scan <sum>, %select_n3A_239 masked %reduce_sum3A_240 : vector<16xi32>, vector<16xi1> -> vector<16xi32>
      %reduce_sum3A_242 = vector.extract %reduce_sum3A_241[15] : i32 from vector<16xi32>
      %add3A_243 = arith.addi %scan3A_209, %reduce_sum3A_242 : i32
      %sub3A_244 = arith.constant 16 : i32
      %sub3A_245 = arith.subi %sub3A_244, %reduce_sum3A_242 : i32
      %add3A_246 = arith.addi %scan3A_210, %sub3A_245 : i32
      scf.yield %add3A_243, %add3A_246 : i32, i32
    }
    %scan3A_72 = arith.constant 125 : i32
    %mul3A_73 = arith.constant 10000 : i32
    %mul3A_74 = arith.muli %add3A, %mul3A_73 : i32
    %add3A_75 = arith.constant 4000 : i32
    %add3A_76 = arith.addi %mul3A_74, %add3A_75 : i32
    %multiple_of3A_77 = tpu.assume_multiple %add3A_76, 8 : i32
    %dma_wait3A_78 = tpu.memref_slice %arg2[%multiple_of3A_77] : memref<320000xi32, #tpu.memory_space<hbm>> -> memref<2000xi32, #tpu.memory_space<hbm>>
    %dma_wait3A_79 = tpu.memref_slice %arg2[%multiple_of3A_77] : memref<320000xi32, #tpu.memory_space<hbm>> -> memref<2000xi32, #tpu.memory_space<hbm>>
    tpu.wait_dma2 semaphore(%arg23 : memref<!tpu.dma_semaphore, #tpu.memory_space<semaphore_mem>>) src(%dma_wait3A_79 : memref<2000xi32, #tpu.memory_space<hbm>>) dst(%arg11 : memref<2000xi32, #tpu.memory_space<vmem>>)
    %dma_wait3A_80 = tpu.memref_slice %arg3[%multiple_of3A_77] : memref<320000xi32, #tpu.memory_space<hbm>> -> memref<2000xi32, #tpu.memory_space<hbm>>
    %dma_wait3A_81 = tpu.memref_slice %arg3[%multiple_of3A_77] : memref<320000xi32, #tpu.memory_space<hbm>> -> memref<2000xi32, #tpu.memory_space<hbm>>
    tpu.wait_dma2 semaphore(%arg23 : memref<!tpu.dma_semaphore, #tpu.memory_space<semaphore_mem>>) src(%dma_wait3A_81 : memref<2000xi32, #tpu.memory_space<hbm>>) dst(%arg12 : memref<2000xi32, #tpu.memory_space<vmem>>)
    %dma_wait3A_82 = tpu.memref_slice %arg4[%multiple_of3A_77] : memref<320000xi32, #tpu.memory_space<hbm>> -> memref<2000xi32, #tpu.memory_space<hbm>>
    %dma_wait3A_83 = tpu.memref_slice %arg4[%multiple_of3A_77] : memref<320000xi32, #tpu.memory_space<hbm>> -> memref<2000xi32, #tpu.memory_space<hbm>>
    tpu.wait_dma2 semaphore(%arg23 : memref<!tpu.dma_semaphore, #tpu.memory_space<semaphore_mem>>) src(%dma_wait3A_83 : memref<2000xi32, #tpu.memory_space<hbm>>) dst(%arg13 : memref<2000xi32, #tpu.memory_space<vmem>>)
    %mul3A_84 = arith.constant 10000 : i32
    %mul3A_85 = arith.muli %add3A, %mul3A_84 : i32
    %add3A_86 = arith.constant 6000 : i32
    %add3A_87 = arith.addi %mul3A_85, %add3A_86 : i32
    %multiple_of3A_88 = tpu.assume_multiple %add3A_87, 8 : i32
    %dma_start3A_89 = tpu.memref_slice %arg2[%multiple_of3A_88] : memref<320000xi32, #tpu.memory_space<hbm>> -> memref<2000xi32, #tpu.memory_space<hbm>>
    %dma_start3A_90 = tpu.memref_slice %arg2[%multiple_of3A_88] : memref<320000xi32, #tpu.memory_space<hbm>> -> memref<2000xi32, #tpu.memory_space<hbm>>
    tpu.enqueue_dma source(%dma_start3A_90 : memref<2000xi32, #tpu.memory_space<hbm>>) target(%arg14 : memref<2000xi32, #tpu.memory_space<vmem>>) target_semaphore(%arg24 : memref<!tpu.dma_semaphore, #tpu.memory_space<semaphore_mem>>)
    %dma_start3A_91 = tpu.memref_slice %arg3[%multiple_of3A_88] : memref<320000xi32, #tpu.memory_space<hbm>> -> memref<2000xi32, #tpu.memory_space<hbm>>
    %dma_start3A_92 = tpu.memref_slice %arg3[%multiple_of3A_88] : memref<320000xi32, #tpu.memory_space<hbm>> -> memref<2000xi32, #tpu.memory_space<hbm>>
    tpu.enqueue_dma source(%dma_start3A_92 : memref<2000xi32, #tpu.memory_space<hbm>>) target(%arg15 : memref<2000xi32, #tpu.memory_space<vmem>>) target_semaphore(%arg24 : memref<!tpu.dma_semaphore, #tpu.memory_space<semaphore_mem>>)
    %dma_start3A_93 = tpu.memref_slice %arg4[%multiple_of3A_88] : memref<320000xi32, #tpu.memory_space<hbm>> -> memref<2000xi32, #tpu.memory_space<hbm>>
    %dma_start3A_94 = tpu.memref_slice %arg4[%multiple_of3A_88] : memref<320000xi32, #tpu.memory_space<hbm>> -> memref<2000xi32, #tpu.memory_space<hbm>>
    tpu.enqueue_dma source(%dma_start3A_94 : memref<2000xi32, #tpu.memory_space<hbm>>) target(%arg16 : memref<2000xi32, #tpu.memory_space<vmem>>) target_semaphore(%arg24 : memref<!tpu.dma_semaphore, #tpu.memory_space<semaphore_mem>>)
    %scan3A_95 = arith.constant 0 : i32
    %scan3A_96 = arith.constant 125 : i32
    %scan3A_97 = arith.addi %scan3A_95, %scan3A_96 : i32
    %scan3A_98 = arith.constant 1 : i32
    %scan3A_99:2 = scf.for %scan3A_208 = %scan3A_95 to %scan3A_97 step %scan3A_98 iter_args(%scan3A_209 = %scan3A_71#0, %scan3A_210 = %scan3A_71#1) -> (i32, i32)  : i32 {
      %mul3A_211 = arith.constant 16 : i32
      %mul3A_212 = arith.muli %scan3A_208, %mul3A_211 : i32
      %multiple_of3A_213 = tpu.assume_multiple %mul3A_212, 16 : i32
      %get3A = arith.index_cast %multiple_of3A_213 : i32 to index
      %get3A_214 = tpu.vector_load %arg11[%get3A] {strides = array<i32>} : memref<2000xi32, #tpu.memory_space<vmem>>, vector<16xi32>,
      %get3A_215 = arith.index_cast %multiple_of3A_213 : i32 to index
      %get3A_216 = tpu.vector_load %arg12[%get3A_215] {strides = array<i32>} : memref<2000xi32, #tpu.memory_space<vmem>>, vector<16xi32>,
      %get3A_217 = arith.index_cast %multiple_of3A_213 : i32 to index
      %get3A_218 = tpu.vector_load %arg13[%get3A_217] {strides = array<i32>} : memref<2000xi32, #tpu.memory_space<vmem>>, vector<16xi32>,
      %eq3A_219 = arith.constant 0 : i32
      %eq3A_220 = vector.broadcast %eq3A_219 : i32 to vector<16xi32>
      %eq3A_221 = arith.cmpi eq, %get3A_218, %eq3A_220 : vector<16xi32>
      %swap3A_222 = arith.index_cast %scan3A_209 : i32 to index
      %swap3A_223 = tpu.vector_load %arg17[%swap3A_222] masked %eq3A_221 {strides = array<i32>} : memref<10256xi32, #tpu.memory_space<vmem>>, vector<16xi32>, vector<16xi1>
      tpu.vector_store %arg17[%swap3A_222], %get3A_214 masked %eq3A_221 {strides = array<i32>} : memref<10256xi32, #tpu.memory_space<vmem>>, vector<16xi32>, vector<16xi1>
      %swap3A_224 = arith.index_cast %scan3A_209 : i32 to index
      %swap3A_225 = tpu.vector_load %arg18[%swap3A_224] masked %eq3A_221 {strides = array<i32>} : memref<10256xi32, #tpu.memory_space<vmem>>, vector<16xi32>, vector<16xi1>
      tpu.vector_store %arg18[%swap3A_224], %get3A_216 masked %eq3A_221 {strides = array<i32>} : memref<10256xi32, #tpu.memory_space<vmem>>, vector<16xi32>, vector<16xi1>
      %not3A = arith.constant dense<true> : vector<16xi1>
      %not3A_226 = arith.xori %eq3A_221, %not3A : vector<16xi1>
      %swap3A_227 = arith.index_cast %scan3A_210 : i32 to index
      %swap3A_228 = tpu.vector_load %arg19[%swap3A_227] masked %not3A_226 {strides = array<i32>} : memref<10256xi32, #tpu.memory_space<vmem>>, vector<16xi32>, vector<16xi1>
      tpu.vector_store %arg19[%swap3A_227], %get3A_214 masked %not3A_226 {strides = array<i32>} : memref<10256xi32, #tpu.memory_space<vmem>>, vector<16xi32>, vector<16xi1>
      %swap3A_229 = arith.index_cast %scan3A_210 : i32 to index
      %swap3A_230 = tpu.vector_load %arg20[%swap3A_229] masked %not3A_226 {strides = array<i32>} : memref<10256xi32, #tpu.memory_space<vmem>>, vector<16xi32>, vector<16xi1>
      tpu.vector_store %arg20[%swap3A_229], %get3A_216 masked %not3A_226 {strides = array<i32>} : memref<10256xi32, #tpu.memory_space<vmem>>, vector<16xi32>, vector<16xi1>
      %mul3A_231 = arith.constant 2 : i32
      %mul3A_232 = vector.broadcast %mul3A_231 : i32 to vector<16xi32>
      %mul3A_233 = arith.muli %get3A_216, %mul3A_232 : vector<16xi32>
      %add3A_234 = arith.addi %mul3A_233, %get3A_218 : vector<16xi32>
      tpu.vector_store_idx %arg22[%add3A_234], %broadcast_in_dim3A_6 {add = true} : memref<20000xf32, #tpu.memory_space<vmem>>[vector<16xi32>], vector<16xf32>,
      %jit3A_235 = arith.constant 1 : i32
      %jit3A_236 = arith.constant 0 : i32
      %broadcast_in_dim3A_237 = vector.broadcast %jit3A_235 : i32 to vector<16xi32>
      %broadcast_in_dim3A_238 = vector.broadcast %jit3A_236 : i32 to vector<16xi32>
      %select_n3A_239 = arith.select %eq3A_221, %broadcast_in_dim3A_237, %broadcast_in_dim3A_238 : vector<16xi1>, vector<16xi32>
      %reduce_sum3A = arith.constant true
      %reduce_sum3A_240 = vector.broadcast %reduce_sum3A : i1 to vector<16xi1>
      %reduce_sum3A_241 = tpu.scan <sum>, %select_n3A_239 masked %reduce_sum3A_240 : vector<16xi32>, vector<16xi1> -> vector<16xi32>
      %reduce_sum3A_242 = vector.extract %reduce_sum3A_241[15] : i32 from vector<16xi32>
      %add3A_243 = arith.addi %scan3A_209, %reduce_sum3A_242 : i32
      %sub3A_244 = arith.constant 16 : i32
      %sub3A_245 = arith.subi %sub3A_244, %reduce_sum3A_242 : i32
      %add3A_246 = arith.addi %scan3A_210, %sub3A_245 : i32
      scf.yield %add3A_243, %add3A_246 : i32, i32
    }
    %scan3A_100 = arith.constant 125 : i32
    %mul3A_101 = arith.constant 10000 : i32
    %mul3A_102 = arith.muli %add3A, %mul3A_101 : i32
    %add3A_103 = arith.constant 6000 : i32
    %add3A_104 = arith.addi %mul3A_102, %add3A_103 : i32
    %multiple_of3A_105 = tpu.assume_multiple %add3A_104, 8 : i32
    %dma_wait3A_106 = tpu.memref_slice %arg2[%multiple_of3A_105] : memref<320000xi32, #tpu.memory_space<hbm>> -> memref<2000xi32, #tpu.memory_space<hbm>>
    %dma_wait3A_107 = tpu.memref_slice %arg2[%multiple_of3A_105] : memref<320000xi32, #tpu.memory_space<hbm>> -> memref<2000xi32, #tpu.memory_space<hbm>>
    tpu.wait_dma2 semaphore(%arg24 : memref<!tpu.dma_semaphore, #tpu.memory_space<semaphore_mem>>) src(%dma_wait3A_107 : memref<2000xi32, #tpu.memory_space<hbm>>) dst(%arg14 : memref<2000xi32, #tpu.memory_space<vmem>>)
    %dma_wait3A_108 = tpu.memref_slice %arg3[%multiple_of3A_105] : memref<320000xi32, #tpu.memory_space<hbm>> -> memref<2000xi32, #tpu.memory_space<hbm>>
    %dma_wait3A_109 = tpu.memref_slice %arg3[%multiple_of3A_105] : memref<320000xi32, #tpu.memory_space<hbm>> -> memref<2000xi32, #tpu.memory_space<hbm>>
    tpu.wait_dma2 semaphore(%arg24 : memref<!tpu.dma_semaphore, #tpu.memory_space<semaphore_mem>>) src(%dma_wait3A_109 : memref<2000xi32, #tpu.memory_space<hbm>>) dst(%arg15 : memref<2000xi32, #tpu.memory_space<vmem>>)
    %dma_wait3A_110 = tpu.memref_slice %arg4[%multiple_of3A_105] : memref<320000xi32, #tpu.memory_space<hbm>> -> memref<2000xi32, #tpu.memory_space<hbm>>
    %dma_wait3A_111 = tpu.memref_slice %arg4[%multiple_of3A_105] : memref<320000xi32, #tpu.memory_space<hbm>> -> memref<2000xi32, #tpu.memory_space<hbm>>
    tpu.wait_dma2 semaphore(%arg24 : memref<!tpu.dma_semaphore, #tpu.memory_space<semaphore_mem>>) src(%dma_wait3A_111 : memref<2000xi32, #tpu.memory_space<hbm>>) dst(%arg16 : memref<2000xi32, #tpu.memory_space<vmem>>)
    %mul3A_112 = arith.constant 10000 : i32
    %mul3A_113 = arith.muli %add3A, %mul3A_112 : i32
    %add3A_114 = arith.constant 8000 : i32
    %add3A_115 = arith.addi %mul3A_113, %add3A_114 : i32
    %multiple_of3A_116 = tpu.assume_multiple %add3A_115, 8 : i32
    %dma_start3A_117 = tpu.memref_slice %arg2[%multiple_of3A_116] : memref<320000xi32, #tpu.memory_space<hbm>> -> memref<2000xi32, #tpu.memory_space<hbm>>
    %dma_start3A_118 = tpu.memref_slice %arg2[%multiple_of3A_116] : memref<320000xi32, #tpu.memory_space<hbm>> -> memref<2000xi32, #tpu.memory_space<hbm>>
    tpu.enqueue_dma source(%dma_start3A_118 : memref<2000xi32, #tpu.memory_space<hbm>>) target(%arg11 : memref<2000xi32, #tpu.memory_space<vmem>>) target_semaphore(%arg23 : memref<!tpu.dma_semaphore, #tpu.memory_space<semaphore_mem>>)
    %dma_start3A_119 = tpu.memref_slice %arg3[%multiple_of3A_116] : memref<320000xi32, #tpu.memory_space<hbm>> -> memref<2000xi32, #tpu.memory_space<hbm>>
    %dma_start3A_120 = tpu.memref_slice %arg3[%multiple_of3A_116] : memref<320000xi32, #tpu.memory_space<hbm>> -> memref<2000xi32, #tpu.memory_space<hbm>>
    tpu.enqueue_dma source(%dma_start3A_120 : memref<2000xi32, #tpu.memory_space<hbm>>) target(%arg12 : memref<2000xi32, #tpu.memory_space<vmem>>) target_semaphore(%arg23 : memref<!tpu.dma_semaphore, #tpu.memory_space<semaphore_mem>>)
    %dma_start3A_121 = tpu.memref_slice %arg4[%multiple_of3A_116] : memref<320000xi32, #tpu.memory_space<hbm>> -> memref<2000xi32, #tpu.memory_space<hbm>>
    %dma_start3A_122 = tpu.memref_slice %arg4[%multiple_of3A_116] : memref<320000xi32, #tpu.memory_space<hbm>> -> memref<2000xi32, #tpu.memory_space<hbm>>
    tpu.enqueue_dma source(%dma_start3A_122 : memref<2000xi32, #tpu.memory_space<hbm>>) target(%arg13 : memref<2000xi32, #tpu.memory_space<vmem>>) target_semaphore(%arg23 : memref<!tpu.dma_semaphore, #tpu.memory_space<semaphore_mem>>)
    %scan3A_123 = arith.constant 0 : i32
    %scan3A_124 = arith.constant 125 : i32
    %scan3A_125 = arith.addi %scan3A_123, %scan3A_124 : i32
    %scan3A_126 = arith.constant 1 : i32
    %scan3A_127:2 = scf.for %scan3A_208 = %scan3A_123 to %scan3A_125 step %scan3A_126 iter_args(%scan3A_209 = %scan3A_99#0, %scan3A_210 = %scan3A_99#1) -> (i32, i32)  : i32 {
      %mul3A_211 = arith.constant 16 : i32
      %mul3A_212 = arith.muli %scan3A_208, %mul3A_211 : i32
      %multiple_of3A_213 = tpu.assume_multiple %mul3A_212, 16 : i32
      %get3A = arith.index_cast %multiple_of3A_213 : i32 to index
      %get3A_214 = tpu.vector_load %arg14[%get3A] {strides = array<i32>} : memref<2000xi32, #tpu.memory_space<vmem>>, vector<16xi32>,
      %get3A_215 = arith.index_cast %multiple_of3A_213 : i32 to index
      %get3A_216 = tpu.vector_load %arg15[%get3A_215] {strides = array<i32>} : memref<2000xi32, #tpu.memory_space<vmem>>, vector<16xi32>,
      %get3A_217 = arith.index_cast %multiple_of3A_213 : i32 to index
      %get3A_218 = tpu.vector_load %arg16[%get3A_217] {strides = array<i32>} : memref<2000xi32, #tpu.memory_space<vmem>>, vector<16xi32>,
      %eq3A_219 = arith.constant 0 : i32
      %eq3A_220 = vector.broadcast %eq3A_219 : i32 to vector<16xi32>
      %eq3A_221 = arith.cmpi eq, %get3A_218, %eq3A_220 : vector<16xi32>
      %swap3A_222 = arith.index_cast %scan3A_209 : i32 to index
      %swap3A_223 = tpu.vector_load %arg17[%swap3A_222] masked %eq3A_221 {strides = array<i32>} : memref<10256xi32, #tpu.memory_space<vmem>>, vector<16xi32>, vector<16xi1>
      tpu.vector_store %arg17[%swap3A_222], %get3A_214 masked %eq3A_221 {strides = array<i32>} : memref<10256xi32, #tpu.memory_space<vmem>>, vector<16xi32>, vector<16xi1>
      %swap3A_224 = arith.index_cast %scan3A_209 : i32 to index
      %swap3A_225 = tpu.vector_load %arg18[%swap3A_224] masked %eq3A_221 {strides = array<i32>} : memref<10256xi32, #tpu.memory_space<vmem>>, vector<16xi32>, vector<16xi1>
      tpu.vector_store %arg18[%swap3A_224], %get3A_216 masked %eq3A_221 {strides = array<i32>} : memref<10256xi32, #tpu.memory_space<vmem>>, vector<16xi32>, vector<16xi1>
      %not3A = arith.constant dense<true> : vector<16xi1>
      %not3A_226 = arith.xori %eq3A_221, %not3A : vector<16xi1>
      %swap3A_227 = arith.index_cast %scan3A_210 : i32 to index
      %swap3A_228 = tpu.vector_load %arg19[%swap3A_227] masked %not3A_226 {strides = array<i32>} : memref<10256xi32, #tpu.memory_space<vmem>>, vector<16xi32>, vector<16xi1>
      tpu.vector_store %arg19[%swap3A_227], %get3A_214 masked %not3A_226 {strides = array<i32>} : memref<10256xi32, #tpu.memory_space<vmem>>, vector<16xi32>, vector<16xi1>
      %swap3A_229 = arith.index_cast %scan3A_210 : i32 to index
      %swap3A_230 = tpu.vector_load %arg20[%swap3A_229] masked %not3A_226 {strides = array<i32>} : memref<10256xi32, #tpu.memory_space<vmem>>, vector<16xi32>, vector<16xi1>
      tpu.vector_store %arg20[%swap3A_229], %get3A_216 masked %not3A_226 {strides = array<i32>} : memref<10256xi32, #tpu.memory_space<vmem>>, vector<16xi32>, vector<16xi1>
      %mul3A_231 = arith.constant 2 : i32
      %mul3A_232 = vector.broadcast %mul3A_231 : i32 to vector<16xi32>
      %mul3A_233 = arith.muli %get3A_216, %mul3A_232 : vector<16xi32>
      %add3A_234 = arith.addi %mul3A_233, %get3A_218 : vector<16xi32>
      tpu.vector_store_idx %arg22[%add3A_234], %broadcast_in_dim3A_6 {add = true} : memref<20000xf32, #tpu.memory_space<vmem>>[vector<16xi32>], vector<16xf32>,
      %jit3A_235 = arith.constant 1 : i32
      %jit3A_236 = arith.constant 0 : i32
      %broadcast_in_dim3A_237 = vector.broadcast %jit3A_235 : i32 to vector<16xi32>
      %broadcast_in_dim3A_238 = vector.broadcast %jit3A_236 : i32 to vector<16xi32>
      %select_n3A_239 = arith.select %eq3A_221, %broadcast_in_dim3A_237, %broadcast_in_dim3A_238 : vector<16xi1>, vector<16xi32>
      %reduce_sum3A = arith.constant true
      %reduce_sum3A_240 = vector.broadcast %reduce_sum3A : i1 to vector<16xi1>
      %reduce_sum3A_241 = tpu.scan <sum>, %select_n3A_239 masked %reduce_sum3A_240 : vector<16xi32>, vector<16xi1> -> vector<16xi32>
      %reduce_sum3A_242 = vector.extract %reduce_sum3A_241[15] : i32 from vector<16xi32>
      %add3A_243 = arith.addi %scan3A_209, %reduce_sum3A_242 : i32
      %sub3A_244 = arith.constant 16 : i32
      %sub3A_245 = arith.subi %sub3A_244, %reduce_sum3A_242 : i32
      %add3A_246 = arith.addi %scan3A_210, %sub3A_245 : i32
      scf.yield %add3A_243, %add3A_246 : i32, i32
    }
    %scan3A_128 = arith.constant 125 : i32
    %mul3A_129 = arith.constant 10000 : i32
    %mul3A_130 = arith.muli %add3A, %mul3A_129 : i32
    %add3A_131 = arith.constant 8000 : i32
    %add3A_132 = arith.addi %mul3A_130, %add3A_131 : i32
    %multiple_of3A_133 = tpu.assume_multiple %add3A_132, 8 : i32
    %dma_wait3A_134 = tpu.memref_slice %arg2[%multiple_of3A_133] : memref<320000xi32, #tpu.memory_space<hbm>> -> memref<2000xi32, #tpu.memory_space<hbm>>
    %dma_wait3A_135 = tpu.memref_slice %arg2[%multiple_of3A_133] : memref<320000xi32, #tpu.memory_space<hbm>> -> memref<2000xi32, #tpu.memory_space<hbm>>
    tpu.wait_dma2 semaphore(%arg23 : memref<!tpu.dma_semaphore, #tpu.memory_space<semaphore_mem>>) src(%dma_wait3A_135 : memref<2000xi32, #tpu.memory_space<hbm>>) dst(%arg11 : memref<2000xi32, #tpu.memory_space<vmem>>)
    %dma_wait3A_136 = tpu.memref_slice %arg3[%multiple_of3A_133] : memref<320000xi32, #tpu.memory_space<hbm>> -> memref<2000xi32, #tpu.memory_space<hbm>>
    %dma_wait3A_137 = tpu.memref_slice %arg3[%multiple_of3A_133] : memref<320000xi32, #tpu.memory_space<hbm>> -> memref<2000xi32, #tpu.memory_space<hbm>>
    tpu.wait_dma2 semaphore(%arg23 : memref<!tpu.dma_semaphore, #tpu.memory_space<semaphore_mem>>) src(%dma_wait3A_137 : memref<2000xi32, #tpu.memory_space<hbm>>) dst(%arg12 : memref<2000xi32, #tpu.memory_space<vmem>>)
    %dma_wait3A_138 = tpu.memref_slice %arg4[%multiple_of3A_133] : memref<320000xi32, #tpu.memory_space<hbm>> -> memref<2000xi32, #tpu.memory_space<hbm>>
    %dma_wait3A_139 = tpu.memref_slice %arg4[%multiple_of3A_133] : memref<320000xi32, #tpu.memory_space<hbm>> -> memref<2000xi32, #tpu.memory_space<hbm>>
    tpu.wait_dma2 semaphore(%arg23 : memref<!tpu.dma_semaphore, #tpu.memory_space<semaphore_mem>>) src(%dma_wait3A_139 : memref<2000xi32, #tpu.memory_space<hbm>>) dst(%arg13 : memref<2000xi32, #tpu.memory_space<vmem>>)
    %scan3A_140 = arith.constant 0 : i32
    %scan3A_141 = arith.constant 125 : i32
    %scan3A_142 = arith.addi %scan3A_140, %scan3A_141 : i32
    %scan3A_143 = arith.constant 1 : i32
    %scan3A_144:2 = scf.for %scan3A_208 = %scan3A_140 to %scan3A_142 step %scan3A_143 iter_args(%scan3A_209 = %scan3A_127#0, %scan3A_210 = %scan3A_127#1) -> (i32, i32)  : i32 {
      %mul3A_211 = arith.constant 16 : i32
      %mul3A_212 = arith.muli %scan3A_208, %mul3A_211 : i32
      %multiple_of3A_213 = tpu.assume_multiple %mul3A_212, 16 : i32
      %get3A = arith.index_cast %multiple_of3A_213 : i32 to index
      %get3A_214 = tpu.vector_load %arg11[%get3A] {strides = array<i32>} : memref<2000xi32, #tpu.memory_space<vmem>>, vector<16xi32>,
      %get3A_215 = arith.index_cast %multiple_of3A_213 : i32 to index
      %get3A_216 = tpu.vector_load %arg12[%get3A_215] {strides = array<i32>} : memref<2000xi32, #tpu.memory_space<vmem>>, vector<16xi32>,
      %get3A_217 = arith.index_cast %multiple_of3A_213 : i32 to index
      %get3A_218 = tpu.vector_load %arg13[%get3A_217] {strides = array<i32>} : memref<2000xi32, #tpu.memory_space<vmem>>, vector<16xi32>,
      %eq3A_219 = arith.constant 0 : i32
      %eq3A_220 = vector.broadcast %eq3A_219 : i32 to vector<16xi32>
      %eq3A_221 = arith.cmpi eq, %get3A_218, %eq3A_220 : vector<16xi32>
      %swap3A_222 = arith.index_cast %scan3A_209 : i32 to index
      %swap3A_223 = tpu.vector_load %arg17[%swap3A_222] masked %eq3A_221 {strides = array<i32>} : memref<10256xi32, #tpu.memory_space<vmem>>, vector<16xi32>, vector<16xi1>
      tpu.vector_store %arg17[%swap3A_222], %get3A_214 masked %eq3A_221 {strides = array<i32>} : memref<10256xi32, #tpu.memory_space<vmem>>, vector<16xi32>, vector<16xi1>
      %swap3A_224 = arith.index_cast %scan3A_209 : i32 to index
      %swap3A_225 = tpu.vector_load %arg18[%swap3A_224] masked %eq3A_221 {strides = array<i32>} : memref<10256xi32, #tpu.memory_space<vmem>>, vector<16xi32>, vector<16xi1>
      tpu.vector_store %arg18[%swap3A_224], %get3A_216 masked %eq3A_221 {strides = array<i32>} : memref<10256xi32, #tpu.memory_space<vmem>>, vector<16xi32>, vector<16xi1>
      %not3A = arith.constant dense<true> : vector<16xi1>
      %not3A_226 = arith.xori %eq3A_221, %not3A : vector<16xi1>
      %swap3A_227 = arith.index_cast %scan3A_210 : i32 to index
      %swap3A_228 = tpu.vector_load %arg19[%swap3A_227] masked %not3A_226 {strides = array<i32>} : memref<10256xi32, #tpu.memory_space<vmem>>, vector<16xi32>, vector<16xi1>
      tpu.vector_store %arg19[%swap3A_227], %get3A_214 masked %not3A_226 {strides = array<i32>} : memref<10256xi32, #tpu.memory_space<vmem>>, vector<16xi32>, vector<16xi1>
      %swap3A_229 = arith.index_cast %scan3A_210 : i32 to index
      %swap3A_230 = tpu.vector_load %arg20[%swap3A_229] masked %not3A_226 {strides = array<i32>} : memref<10256xi32, #tpu.memory_space<vmem>>, vector<16xi32>, vector<16xi1>
      tpu.vector_store %arg20[%swap3A_229], %get3A_216 masked %not3A_226 {strides = array<i32>} : memref<10256xi32, #tpu.memory_space<vmem>>, vector<16xi32>, vector<16xi1>
      %mul3A_231 = arith.constant 2 : i32
      %mul3A_232 = vector.broadcast %mul3A_231 : i32 to vector<16xi32>
      %mul3A_233 = arith.muli %get3A_216, %mul3A_232 : vector<16xi32>
      %add3A_234 = arith.addi %mul3A_233, %get3A_218 : vector<16xi32>
      tpu.vector_store_idx %arg22[%add3A_234], %broadcast_in_dim3A_6 {add = true} : memref<20000xf32, #tpu.memory_space<vmem>>[vector<16xi32>], vector<16xf32>,
      %jit3A_235 = arith.constant 1 : i32
      %jit3A_236 = arith.constant 0 : i32
      %broadcast_in_dim3A_237 = vector.broadcast %jit3A_235 : i32 to vector<16xi32>
      %broadcast_in_dim3A_238 = vector.broadcast %jit3A_236 : i32 to vector<16xi32>
      %select_n3A_239 = arith.select %eq3A_221, %broadcast_in_dim3A_237, %broadcast_in_dim3A_238 : vector<16xi1>, vector<16xi32>
      %reduce_sum3A = arith.constant true
      %reduce_sum3A_240 = vector.broadcast %reduce_sum3A : i1 to vector<16xi1>
      %reduce_sum3A_241 = tpu.scan <sum>, %select_n3A_239 masked %reduce_sum3A_240 : vector<16xi32>, vector<16xi1> -> vector<16xi32>
      %reduce_sum3A_242 = vector.extract %reduce_sum3A_241[15] : i32 from vector<16xi32>
      %add3A_243 = arith.addi %scan3A_209, %reduce_sum3A_242 : i32
      %sub3A_244 = arith.constant 16 : i32
      %sub3A_245 = arith.subi %sub3A_244, %reduce_sum3A_242 : i32
      %add3A_246 = arith.addi %scan3A_210, %sub3A_245 : i32
      scf.yield %add3A_243, %add3A_246 : i32, i32
    }
    %scan3A_145 = arith.constant 125 : i32
    %broadcast_in_dim3A_146 = arith.constant 0 : i32
    %broadcast_in_dim3A_147 = vector.broadcast %broadcast_in_dim3A_146 : i32 to vector<16xi32>
    %broadcast_in_dim3A_148 = arith.constant 10000 : i32
    %broadcast_in_dim3A_149 = vector.broadcast %broadcast_in_dim3A_148 : i32 to vector<16xi32>
    %eq3A = arith.constant 0 : i32
    %eq3A_150 = vector.broadcast %eq3A : i32 to vector<16xi32>
    %eq3A_151 = arith.cmpi eq, %broadcast_in_dim3A_147, %eq3A_150 : vector<16xi32>
    %add3A_152 = arith.constant 255 : i32
    %add3A_153 = arith.addi %scan3A_144#0, %add3A_152 : i32
    %shift_right_arithmetic3A = arith.constant 8 : i32
    %shift_right_arithmetic3A_154 = arith.shrsi %add3A_153, %shift_right_arithmetic3A : i32
    %shift_left3A = arith.constant 8 : i32
    %shift_left3A_155 = arith.shli %shift_right_arithmetic3A_154, %shift_left3A : i32
    %sub3A = arith.subi %shift_left3A_155, %scan3A_144#0 : i32
    %add3A_156 = arith.constant 15 : i32
    %add3A_157 = arith.addi %sub3A, %add3A_156 : i32
    %shift_right_arithmetic3A_158 = arith.constant 4 : i32
    %shift_right_arithmetic3A_159 = arith.shrsi %add3A_157, %shift_right_arithmetic3A_158 : i32
    %while3A = arith.constant 0 : i32
    %while3A_160 = arith.constant 0 : i32
    %while3A_161 = arith.subi %shift_right_arithmetic3A_159, %while3A_160 : i32
    %while3A_162 = arith.addi %while3A_160, %while3A_161 : i32
    %while3A_163 = arith.constant 1 : i32
    %while3A_164 = arith.divsi %while3A_161, %while3A_163 : i32
    %while3A_165 = arith.muli %while3A_164, %while3A_163 : i32
    %while3A_166 = arith.addi %while3A_160, %while3A_165 : i32
    %while3A_167 = arith.constant 1 : i32
    scf.for %while3A_208 = %while3A_160 to %while3A_166 step %while3A_167  : i32 {
      %mul3A_209 = arith.constant 16 : i32
      %mul3A_210 = arith.muli %while3A_208, %mul3A_209 : i32
      %add3A_211 = arith.addi %scan3A_144#0, %mul3A_210 : i32
      %swap3A_212 = arith.index_cast %add3A_211 : i32 to index
      %swap3A_213 = tpu.vector_load %arg17[%swap3A_212] masked %eq3A_151 {strides = array<i32>} : memref<10256xi32, #tpu.memory_space<vmem>>, vector<16xi32>, vector<16xi1>
      tpu.vector_store %arg17[%swap3A_212], %broadcast_in_dim3A_147 masked %eq3A_151 {strides = array<i32>} : memref<10256xi32, #tpu.memory_space<vmem>>, vector<16xi32>, vector<16xi1>
      %mul3A_214 = arith.constant 16 : i32
      %mul3A_215 = arith.muli %while3A_208, %mul3A_214 : i32
      %add3A_216 = arith.addi %scan3A_144#0, %mul3A_215 : i32
      %swap3A_217 = arith.index_cast %add3A_216 : i32 to index
      %swap3A_218 = tpu.vector_load %arg18[%swap3A_217] masked %eq3A_151 {strides = array<i32>} : memref<10256xi32, #tpu.memory_space<vmem>>, vector<16xi32>, vector<16xi1>
      tpu.vector_store %arg18[%swap3A_217], %broadcast_in_dim3A_149 masked %eq3A_151 {strides = array<i32>} : memref<10256xi32, #tpu.memory_space<vmem>>, vector<16xi32>, vector<16xi1>
    }
    %while3A_168 = arith.constant 1 : i32
    scf.for %while3A_208 = %while3A_166 to %while3A_162 step %while3A_168  : i32 {
      %mul3A_209 = arith.constant 16 : i32
      %mul3A_210 = arith.muli %while3A_208, %mul3A_209 : i32
      %add3A_211 = arith.addi %scan3A_144#0, %mul3A_210 : i32
      %swap3A_212 = arith.index_cast %add3A_211 : i32 to index
      %swap3A_213 = tpu.vector_load %arg17[%swap3A_212] masked %eq3A_151 {strides = array<i32>} : memref<10256xi32, #tpu.memory_space<vmem>>, vector<16xi32>, vector<16xi1>
      tpu.vector_store %arg17[%swap3A_212], %broadcast_in_dim3A_147 masked %eq3A_151 {strides = array<i32>} : memref<10256xi32, #tpu.memory_space<vmem>>, vector<16xi32>, vector<16xi1>
      %mul3A_214 = arith.constant 16 : i32
      %mul3A_215 = arith.muli %while3A_208, %mul3A_214 : i32
      %add3A_216 = arith.addi %scan3A_144#0, %mul3A_215 : i32
      %swap3A_217 = arith.index_cast %add3A_216 : i32 to index
      %swap3A_218 = tpu.vector_load %arg18[%swap3A_217] masked %eq3A_151 {strides = array<i32>} : memref<10256xi32, #tpu.memory_space<vmem>>, vector<16xi32>, vector<16xi1>
      tpu.vector_store %arg18[%swap3A_217], %broadcast_in_dim3A_149 masked %eq3A_151 {strides = array<i32>} : memref<10256xi32, #tpu.memory_space<vmem>>, vector<16xi32>, vector<16xi1>
    }
    %shift_right_arithmetic3A_169 = arith.constant 8 : i32
    %shift_right_arithmetic3A_170 = arith.shrsi %shift_left3A_155, %shift_right_arithmetic3A_169 : i32
    %add3A_171 = arith.constant 255 : i32
    %add3A_172 = arith.addi %scan3A_144#1, %add3A_171 : i32
    %shift_right_arithmetic3A_173 = arith.constant 8 : i32
    %shift_right_arithmetic3A_174 = arith.shrsi %add3A_172, %shift_right_arithmetic3A_173 : i32
    %shift_left3A_175 = arith.constant 8 : i32
    %shift_left3A_176 = arith.shli %shift_right_arithmetic3A_174, %shift_left3A_175 : i32
    %sub3A_177 = arith.subi %shift_left3A_176, %scan3A_144#1 : i32
    %add3A_178 = arith.constant 15 : i32
    %add3A_179 = arith.addi %sub3A_177, %add3A_178 : i32
    %shift_right_arithmetic3A_180 = arith.constant 4 : i32
    %shift_right_arithmetic3A_181 = arith.shrsi %add3A_179, %shift_right_arithmetic3A_180 : i32
    %while3A_182 = arith.constant 0 : i32
    %while3A_183 = arith.constant 0 : i32
    %while3A_184 = arith.subi %shift_right_arithmetic3A_181, %while3A_183 : i32
    %while3A_185 = arith.addi %while3A_183, %while3A_184 : i32
    %while3A_186 = arith.constant 1 : i32
    %while3A_187 = arith.divsi %while3A_184, %while3A_186 : i32
    %while3A_188 = arith.muli %while3A_187, %while3A_186 : i32
    %while3A_189 = arith.addi %while3A_183, %while3A_188 : i32
    %while3A_190 = arith.constant 1 : i32
    scf.for %while3A_208 = %while3A_183 to %while3A_189 step %while3A_190  : i32 {
      %mul3A_209 = arith.constant 16 : i32
      %mul3A_210 = arith.muli %while3A_208, %mul3A_209 : i32
      %add3A_211 = arith.addi %scan3A_144#1, %mul3A_210 : i32
      %swap3A_212 = arith.index_cast %add3A_211 : i32 to index
      %swap3A_213 = tpu.vector_load %arg19[%swap3A_212] masked %eq3A_151 {strides = array<i32>} : memref<10256xi32, #tpu.memory_space<vmem>>, vector<16xi32>, vector<16xi1>
      tpu.vector_store %arg19[%swap3A_212], %broadcast_in_dim3A_147 masked %eq3A_151 {strides = array<i32>} : memref<10256xi32, #tpu.memory_space<vmem>>, vector<16xi32>, vector<16xi1>
      %mul3A_214 = arith.constant 16 : i32
      %mul3A_215 = arith.muli %while3A_208, %mul3A_214 : i32
      %add3A_216 = arith.addi %scan3A_144#1, %mul3A_215 : i32
      %swap3A_217 = arith.index_cast %add3A_216 : i32 to index
      %swap3A_218 = tpu.vector_load %arg20[%swap3A_217] masked %eq3A_151 {strides = array<i32>} : memref<10256xi32, #tpu.memory_space<vmem>>, vector<16xi32>, vector<16xi1>
      tpu.vector_store %arg20[%swap3A_217], %broadcast_in_dim3A_149 masked %eq3A_151 {strides = array<i32>} : memref<10256xi32, #tpu.memory_space<vmem>>, vector<16xi32>, vector<16xi1>
    }
    %while3A_191 = arith.constant 1 : i32
    scf.for %while3A_208 = %while3A_189 to %while3A_185 step %while3A_191  : i32 {
      %mul3A_209 = arith.constant 16 : i32
      %mul3A_210 = arith.muli %while3A_208, %mul3A_209 : i32
      %add3A_211 = arith.addi %scan3A_144#1, %mul3A_210 : i32
      %swap3A_212 = arith.index_cast %add3A_211 : i32 to index
      %swap3A_213 = tpu.vector_load %arg19[%swap3A_212] masked %eq3A_151 {strides = array<i32>} : memref<10256xi32, #tpu.memory_space<vmem>>, vector<16xi32>, vector<16xi1>
      tpu.vector_store %arg19[%swap3A_212], %broadcast_in_dim3A_147 masked %eq3A_151 {strides = array<i32>} : memref<10256xi32, #tpu.memory_space<vmem>>, vector<16xi32>, vector<16xi1>
      %mul3A_214 = arith.constant 16 : i32
      %mul3A_215 = arith.muli %while3A_208, %mul3A_214 : i32
      %add3A_216 = arith.addi %scan3A_144#1, %mul3A_215 : i32
      %swap3A_217 = arith.index_cast %add3A_216 : i32 to index
      %swap3A_218 = tpu.vector_load %arg20[%swap3A_217] masked %eq3A_151 {strides = array<i32>} : memref<10256xi32, #tpu.memory_space<vmem>>, vector<16xi32>, vector<16xi1>
      tpu.vector_store %arg20[%swap3A_217], %broadcast_in_dim3A_149 masked %eq3A_151 {strides = array<i32>} : memref<10256xi32, #tpu.memory_space<vmem>>, vector<16xi32>, vector<16xi1>
    }
    %shift_right_arithmetic3A_192 = arith.constant 8 : i32
    %shift_right_arithmetic3A_193 = arith.shrsi %shift_left3A_176, %shift_right_arithmetic3A_192 : i32
    %iota3A = tpu.iota {dimensions = array<i32: 0>} : vector<16xi32>
    %eq3A_194 = arith.constant 0 : i32
    %eq3A_195 = vector.broadcast %eq3A_194 : i32 to vector<16xi32>
    %eq3A_196 = arith.cmpi eq, %iota3A, %eq3A_195 : vector<16xi32>
    %eq3A_197 = arith.constant 1 : i32
    %eq3A_198 = vector.broadcast %eq3A_197 : i32 to vector<16xi32>
    %eq3A_199 = arith.cmpi eq, %iota3A, %eq3A_198 : vector<16xi32>
    %jit3A = arith.constant 0 : i32
    %broadcast_in_dim3A_200 = vector.broadcast %shift_right_arithmetic3A_193 : i32 to vector<16xi32>
    %broadcast_in_dim3A_201 = vector.broadcast %jit3A : i32 to vector<16xi32>
    %select_n3A = arith.select %eq3A_199, %broadcast_in_dim3A_200, %broadcast_in_dim3A_201 : vector<16xi1>, vector<16xi32>
    %broadcast_in_dim3A_202 = vector.broadcast %shift_right_arithmetic3A_170 : i32 to vector<16xi32>
    %select_n3A_203 = arith.select %eq3A_196, %broadcast_in_dim3A_202, %select_n3A : vector<16xi1>, vector<16xi32>
    %swap3A = arith.constant 0 : index
    %swap3A_204 = tpu.vector_load %arg21[%swap3A] {strides = array<i32>} : memref<16xi32, #tpu.memory_space<vmem>>, vector<16xi32>,
    tpu.vector_store %arg21[%swap3A], %select_n3A_203 {strides = array<i32>} : memref<16xi32, #tpu.memory_space<vmem>>, vector<16xi32>,
    %mul3A_205 = arith.constant 10256 : i32
    %mul3A_206 = arith.muli %add3A, %mul3A_205 : i32
    %multiple_of3A_207 = tpu.assume_multiple %mul3A_206, 8 : i32
    "tpu.region"() ({
      %run_scoped3A = tpu.sem_alloc : memref<!tpu.dma_semaphore, #tpu.memory_space<semaphore_mem>>
      %dma_start3A_208 = tpu.memref_slice %arg6[%multiple_of3A_207] : memref<328192xi32, #tpu.memory_space<hbm>> -> memref<10256xi32, #tpu.memory_space<hbm>>
      %dma_start3A_209 = tpu.memref_slice %arg6[%multiple_of3A_207] : memref<328192xi32, #tpu.memory_space<hbm>> -> memref<10256xi32, #tpu.memory_space<hbm>>
      tpu.enqueue_dma source(%arg17 : memref<10256xi32, #tpu.memory_space<vmem>>) target(%dma_start3A_209 : memref<10256xi32, #tpu.memory_space<hbm>>) target_semaphore(%run_scoped3A : memref<!tpu.dma_semaphore, #tpu.memory_space<semaphore_mem>>)
      %dma_wait3A_210 = tpu.memref_slice %arg6[%multiple_of3A_207] : memref<328192xi32, #tpu.memory_space<hbm>> -> memref<10256xi32, #tpu.memory_space<hbm>>
      %dma_wait3A_211 = tpu.memref_slice %arg6[%multiple_of3A_207] : memref<328192xi32, #tpu.memory_space<hbm>> -> memref<10256xi32, #tpu.memory_space<hbm>>
      tpu.wait_dma2 semaphore(%run_scoped3A : memref<!tpu.dma_semaphore, #tpu.memory_space<semaphore_mem>>) src(%arg17 : memref<10256xi32, #tpu.memory_space<vmem>>) dst(%dma_wait3A_211 : memref<10256xi32, #tpu.memory_space<hbm>>)
      tpu.yield
    }) : () -> ()
    "tpu.region"() ({
      %run_scoped3A = tpu.sem_alloc : memref<!tpu.dma_semaphore, #tpu.memory_space<semaphore_mem>>
      %dma_start3A_208 = tpu.memref_slice %arg7[%multiple_of3A_207] : memref<328192xi32, #tpu.memory_space<hbm>> -> memref<10256xi32, #tpu.memory_space<hbm>>
      %dma_start3A_209 = tpu.memref_slice %arg7[%multiple_of3A_207] : memref<328192xi32, #tpu.memory_space<hbm>> -> memref<10256xi32, #tpu.memory_space<hbm>>
      tpu.enqueue_dma source(%arg18 : memref<10256xi32, #tpu.memory_space<vmem>>) target(%dma_start3A_209 : memref<10256xi32, #tpu.memory_space<hbm>>) target_semaphore(%run_scoped3A : memref<!tpu.dma_semaphore, #tpu.memory_space<semaphore_mem>>)
      %dma_wait3A_210 = tpu.memref_slice %arg7[%multiple_of3A_207] : memref<328192xi32, #tpu.memory_space<hbm>> -> memref<10256xi32, #tpu.memory_space<hbm>>
      %dma_wait3A_211 = tpu.memref_slice %arg7[%multiple_of3A_207] : memref<328192xi32, #tpu.memory_space<hbm>> -> memref<10256xi32, #tpu.memory_space<hbm>>
      tpu.wait_dma2 semaphore(%run_scoped3A : memref<!tpu.dma_semaphore, #tpu.memory_space<semaphore_mem>>) src(%arg18 : memref<10256xi32, #tpu.memory_space<vmem>>) dst(%dma_wait3A_211 : memref<10256xi32, #tpu.memory_space<hbm>>)
      tpu.yield
    }) : () -> ()
    "tpu.region"() ({
      %run_scoped3A = tpu.sem_alloc : memref<!tpu.dma_semaphore, #tpu.memory_space<semaphore_mem>>
      %dma_start3A_208 = tpu.memref_slice %arg8[%multiple_of3A_207] : memref<328192xi32, #tpu.memory_space<hbm>> -> memref<10256xi32, #tpu.memory_space<hbm>>
      %dma_start3A_209 = tpu.memref_slice %arg8[%multiple_of3A_207] : memref<328192xi32, #tpu.memory_space<hbm>> -> memref<10256xi32, #tpu.memory_space<hbm>>
      tpu.enqueue_dma source(%arg19 : memref<10256xi32, #tpu.memory_space<vmem>>) target(%dma_start3A_209 : memref<10256xi32, #tpu.memory_space<hbm>>) target_semaphore(%run_scoped3A : memref<!tpu.dma_semaphore, #tpu.memory_space<semaphore_mem>>)
      %dma_wait3A_210 = tpu.memref_slice %arg8[%multiple_of3A_207] : memref<328192xi32, #tpu.memory_space<hbm>> -> memref<10256xi32, #tpu.memory_space<hbm>>
      %dma_wait3A_211 = tpu.memref_slice %arg8[%multiple_of3A_207] : memref<328192xi32, #tpu.memory_space<hbm>> -> memref<10256xi32, #tpu.memory_space<hbm>>
      tpu.wait_dma2 semaphore(%run_scoped3A : memref<!tpu.dma_semaphore, #tpu.memory_space<semaphore_mem>>) src(%arg19 : memref<10256xi32, #tpu.memory_space<vmem>>) dst(%dma_wait3A_211 : memref<10256xi32, #tpu.memory_space<hbm>>)
      tpu.yield
    }) : () -> ()
    "tpu.region"() ({
      %run_scoped3A = tpu.sem_alloc : memref<!tpu.dma_semaphore, #tpu.memory_space<semaphore_mem>>
      %dma_start3A_208 = tpu.memref_slice %arg9[%multiple_of3A_207] : memref<328192xi32, #tpu.memory_space<hbm>> -> memref<10256xi32, #tpu.memory_space<hbm>>
      %dma_start3A_209 = tpu.memref_slice %arg9[%multiple_of3A_207] : memref<328192xi32, #tpu.memory_space<hbm>> -> memref<10256xi32, #tpu.memory_space<hbm>>
      tpu.enqueue_dma source(%arg20 : memref<10256xi32, #tpu.memory_space<vmem>>) target(%dma_start3A_209 : memref<10256xi32, #tpu.memory_space<hbm>>) target_semaphore(%run_scoped3A : memref<!tpu.dma_semaphore, #tpu.memory_space<semaphore_mem>>)
      %dma_wait3A_210 = tpu.memref_slice %arg9[%multiple_of3A_207] : memref<328192xi32, #tpu.memory_space<hbm>> -> memref<10256xi32, #tpu.memory_space<hbm>>
      %dma_wait3A_211 = tpu.memref_slice %arg9[%multiple_of3A_207] : memref<328192xi32, #tpu.memory_space<hbm>> -> memref<10256xi32, #tpu.memory_space<hbm>>
      tpu.wait_dma2 semaphore(%run_scoped3A : memref<!tpu.dma_semaphore, #tpu.memory_space<semaphore_mem>>) src(%arg20 : memref<10256xi32, #tpu.memory_space<vmem>>) dst(%dma_wait3A_211 : memref<10256xi32, #tpu.memory_space<hbm>>)
      tpu.yield
    }) : () -> ()
    "tpu.region"() ({
      %run_scoped3A = tpu.sem_alloc : memref<!tpu.dma_semaphore, #tpu.memory_space<semaphore_mem>>
      %dma_start3A_208 = arith.constant 0 : i32
      %dma_start3A_209 = tpu.memref_slice %arg10[%add3A, %dma_start3A_208] : memref<32x16xi32, #tpu.memory_space<hbm>> -> memref<1x16xi32, #tpu.memory_space<hbm>>
      %dma_start3A_210 = tpu.memref_squeeze %dma_start3A_209 : memref<1x16xi32, #tpu.memory_space<hbm>> -> memref<16xi32, #tpu.memory_space<hbm>>
      %dma_start3A_211 = arith.constant 0 : i32
      %dma_start3A_212 = tpu.memref_slice %arg10[%add3A, %dma_start3A_211] : memref<32x16xi32, #tpu.memory_space<hbm>> -> memref<1x16xi32, #tpu.memory_space<hbm>>
      %dma_start3A_213 = tpu.memref_squeeze %dma_start3A_212 : memref<1x16xi32, #tpu.memory_space<hbm>> -> memref<16xi32, #tpu.memory_space<hbm>>
      tpu.enqueue_dma source(%arg21 : memref<16xi32, #tpu.memory_space<vmem>>) target(%dma_start3A_213 : memref<16xi32, #tpu.memory_space<hbm>>) target_semaphore(%run_scoped3A : memref<!tpu.dma_semaphore, #tpu.memory_space<semaphore_mem>>)
      %dma_wait3A_214 = arith.constant 0 : i32
      %dma_wait3A_215 = tpu.memref_slice %arg10[%add3A, %dma_wait3A_214] : memref<32x16xi32, #tpu.memory_space<hbm>> -> memref<1x16xi32, #tpu.memory_space<hbm>>
      %dma_wait3A_216 = tpu.memref_squeeze %dma_wait3A_215 : memref<1x16xi32, #tpu.memory_space<hbm>> -> memref<16xi32, #tpu.memory_space<hbm>>
      %dma_wait3A_217 = arith.constant 0 : i32
      %dma_wait3A_218 = tpu.memref_slice %arg10[%add3A, %dma_wait3A_217] : memref<32x16xi32, #tpu.memory_space<hbm>> -> memref<1x16xi32, #tpu.memory_space<hbm>>
      %dma_wait3A_219 = tpu.memref_squeeze %dma_wait3A_218 : memref<1x16xi32, #tpu.memory_space<hbm>> -> memref<16xi32, #tpu.memory_space<hbm>>
      tpu.wait_dma2 semaphore(%run_scoped3A : memref<!tpu.dma_semaphore, #tpu.memory_space<semaphore_mem>>) src(%arg21 : memref<16xi32, #tpu.memory_space<vmem>>) dst(%dma_wait3A_219 : memref<16xi32, #tpu.memory_space<hbm>>)
      tpu.yield
    }) : () -> ()
    "tpu.region"() ({
      %run_scoped3A = tpu.sem_alloc : memref<!tpu.dma_semaphore, #tpu.memory_space<semaphore_mem>>
      %dma_start3A_208 = arith.constant 0 : i32
      %dma_start3A_209 = tpu.memref_slice %arg5[%add3A, %dma_start3A_208] : memref<32x20000xf32, #tpu.memory_space<hbm>> -> memref<1x20000xf32, #tpu.memory_space<hbm>>
      %dma_start3A_210 = tpu.memref_squeeze %dma_start3A_209 : memref<1x20000xf32, #tpu.memory_space<hbm>> -> memref<20000xf32, #tpu.memory_space<hbm>>
      %dma_start3A_211 = arith.constant 0 : i32
      %dma_start3A_212 = tpu.memref_slice %arg5[%add3A, %dma_start3A_211] : memref<32x20000xf32, #tpu.memory_space<hbm>> -> memref<1x20000xf32, #tpu.memory_space<hbm>>
      %dma_start3A_213 = tpu.memref_squeeze %dma_start3A_212 : memref<1x20000xf32, #tpu.memory_space<hbm>> -> memref<20000xf32, #tpu.memory_space<hbm>>
      tpu.enqueue_dma source(%arg22 : memref<20000xf32, #tpu.memory_space<vmem>>) target(%dma_start3A_213 : memref<20000xf32, #tpu.memory_space<hbm>>) target_semaphore(%run_scoped3A : memref<!tpu.dma_semaphore, #tpu.memory_space<semaphore_mem>>)
      %dma_wait3A_214 = arith.constant 0 : i32
      %dma_wait3A_215 = tpu.memref_slice %arg5[%add3A, %dma_wait3A_214] : memref<32x20000xf32, #tpu.memory_space<hbm>> -> memref<1x20000xf32, #tpu.memory_space<hbm>>
      %dma_wait3A_216 = tpu.memref_squeeze %dma_wait3A_215 : memref<1x20000xf32, #tpu.memory_space<hbm>> -> memref<20000xf32, #tpu.memory_space<hbm>>
      %dma_wait3A_217 = arith.constant 0 : i32
      %dma_wait3A_218 = tpu.memref_slice %arg5[%add3A, %dma_wait3A_217] : memref<32x20000xf32, #tpu.memory_space<hbm>> -> memref<1x20000xf32, #tpu.memory_space<hbm>>
      %dma_wait3A_219 = tpu.memref_squeeze %dma_wait3A_218 : memref<1x20000xf32, #tpu.memory_space<hbm>> -> memref<20000xf32, #tpu.memory_space<hbm>>
      tpu.wait_dma2 semaphore(%run_scoped3A : memref<!tpu.dma_semaphore, #tpu.memory_space<semaphore_mem>>) src(%arg22 : memref<20000xf32, #tpu.memory_space<vmem>>) dst(%dma_wait3A_219 : memref<20000xf32, #tpu.memory_space<hbm>>)
      tpu.yield
    }) : () -> ()
    return
  }
}

</mosaic_0001>

<sc_bundles>
// kernel: _sc_prep.3.cloned.1.call-start
scs
__scs_entry_jumppad:
0x0: {  	(pc) =	sbr.rel $0x88, $3  }
0x1: {  	(tag) =	ssettag $0x0;
	lr =	simm.s32 $0x1  }
0x2: {  	[smem:$0x3F9E] =	sst lr;
	_ =	strace $0xD0000000  }
0x3: {  	_ = 	snop  }
0x4: {  	_ = 	snop  }
0x5: {  	_ = 	snop  }
0x6: {  	_ = 	snop  }
0x7: {  	_ = 	snop  }
__scs_overlays_trampoline_lowered:
0x8: {  	[smem:$0x3FAD] =	sst s0  }
0x9: {  	[smem:$0x3FAE] =	sst s1  }
0xa: {  	[smem:$0x3FAF] =	sst s2  }
0xb: {  	[smem:$0x3FB0] =	sst s3  }
0xc: {  	[smem:$0x3FB1] =	sst s4  }
0xd: {  	[smem:$0x3FB2] =	sst s5  }
0xe: {  	[smem:$0x3FB3] =	sst s6  }
0xf: {  	[smem:$0x3FB4] =	sst s7  }
0x10: {  	[smem:$0x3FB5] =	sst s8  }
0x11: {  	[smem:$0x3FB6] =	sst s9;
	s0 =	simm.s32 @!p0 $0x0  }
0x12: {  	s1 =	sld [smem:$0x3F9C];
	s0 =	simm.s32 @p0 $0x1  }
0x13: {  	[smem:$0x3FB7] =	sst s0;
	s0 =	simm.s32 @!p1 $0x0  }
0x14: {  	s2 =	sld [smem:$0x3F9B];
	s0 =	simm.s32 @p1 $0x1  }
0x15: {  	[smem:$0x3FB8] =	sst s0;
	s0 =	simm.s32 @!p2 $0x0  }
0x16: {  	s3 =	sld [smem:$0x3FDB];
	s0 =	simm.s32 @p2 $0x1  }
0x17: {  	s4 =	simm.s32 $0x1BF5;
	[smem:$0x3FBA] =	sst s0  }
0x18: {  	s0 =	sld [smem:$0x3F9D];
	_ =	swait.ge [sflag:s4], $0x0  }
0x19: {  	s7 =	sld [smem:$0x3F9E]  }
0x1a: {  	s8 =	sadd.s32 $0xFFFFE003, lr  }
0x1b: {  	s9 =	sadd.s32 $0xFFFFFEF7, lr;
	s5 =	simm.s32 $0xFFFFFFFF;
	p2 =	slt.u32 s8, $0xFFFFF086  }
0x1c: {  	p1 =	slt.u32 s9, $0xF7A;
	s5 =	simm.s32 @!p2 $0x0  }
0x1d: {  	s5 =	simm.s32 @p1 $0x1;
	p0 =	seq.s32 s7, s2  }
0x1e: {  	s7 =	smul.u32 @!p0 $0xF7A, s2;
	p2 =	seq.s32 @!p0 s5, $0x0  }
0x1f: {  	s9 =	smul.u32 $0xF7A, s1;
	s8 =	simm.s32 @!p0 $0x1BF5;
	p2 =	por !p2, p0  }
0x20: {  	[sflag:s8] =	ssyncset.s32 @!p0 $0xFFFFF086;
	s6 =	sadd.s32 @!p0 s3, s7;
	s7 =	simm.s32 @!p0 $0x108  }
0x21: {  	s3 =	sadd.s32 s3, s9;
	s6 =	sadd.s32 @!p0 $0x88, s6;
	s7 =	simm.s32 @p2 $0x1082  }
0x22: {  	[simem:s7], [sflag:s8] =	dma.local @!p0 [hbm:s6], $0xF7A  }
0x23: {  	s9 =	sor.u32 $0xD0000000, s2;
	s6 =	simm.s32 $0x108;
	_ =	swait.ge @!p0 [sflag:s8], $0x0  }
0x24: {  	s3 =	sadd.s32 $0x88, s3;
	s6 =	simm.s32 @!p1 $0x1082;
	[sflag:s4] =	ssyncset.s32 $0xFFFFF086  }
0x25: {  	[simem:s6], [sflag:s4] =	dma.local [hbm:s3], $0xF7A  }
0x26: {  	[smem:$0x3F9E] =	sst s1;
	(tag) =	ssettag s2;
	_ =	strace s9  }
0x27: {  	s1 =	sld [smem:$0x3FAE]  }
0x28: {  	s2 =	sld [smem:$0x3FAF]  }
0x29: {  	s4 =	sld [smem:$0x3FB1]  }
0x2a: {  	p0 =	seq.s32 s5, $0x0;
	s5 =	sld [smem:$0x3FB2]  }
0x2b: {  	s6 =	sld [smem:$0x3FB3]  }
0x2c: {  	s7 =	sld [smem:$0x3FB4]  }
0x2d: {  	s3 =	simm.s32 $0x108;
	s8 =	sld [smem:$0x3FB5]  }
0x2e: {  	s3 =	simm.s32 @!p0 $0x1082;
	s9 =	sld [smem:$0x3FB6]  }
0x2f: {  	lr =	sadd.s32 s0, s3;
	s0 =	sld [smem:$0x3FAD]  }
0x30: {  	s3 =	sld [smem:$0x3FB0]  }
0x31: {  	[smem:$0x3FB9] =	sst s10  }
0x32: {  	s10 =	sld [smem:$0x3FB7];
	_ =	sdelay $0x3  }
0x33: {  	p0 =	seq.s32 s10, $0x1;
	s10 =	sld [smem:$0x3FB9];
	_ =	sdelay $0x3  }
0x34: {  	[smem:$0x3FB9] =	sst s10  }
0x35: {  	s10 =	sld [smem:$0x3FB8];
	_ =	sdelay $0x3  }
0x36: {  	p1 =	seq.s32 s10, $0x1;
	s10 =	sld [smem:$0x3FB9];
	_ =	sdelay $0x3  }
0x37: {  	[smem:$0x3FB9] =	sst s10  }
0x38: {  	s10 =	sld [smem:$0x3FBA]  }
0x39: {  	_ = 	snop;
	(pc) =	sbr.ind lr, $3  }
0x3a: {  	_ = 	snop  }
0x3b: {  	_ = 	snop  }
0x3c: {  	p2 =	seq.s32 s10, $0x1;
	s10 =	sld [smem:$0x3FB9]  }
0x3d: {  	_ =	shalt  }
0x3e: {  	_ =	shalt  }
0x3f: {  	_ =	shalt  }
0x40: {  	_ =	shalt  }
0x41: {  	_ =	shalt  }
0x42: {  	_ =	shalt  }
0x43: {  	_ =	shalt  }
0x44: {  	_ =	shalt  }
0x45: {  	_ =	shalt  }
0x46: {  	_ =	shalt  }
0x47: {  	_ =	shalt  }
0x48: {  	_ =	shalt  }
0x49: {  	_ =	shalt  }
0x4a: {  	_ =	shalt  }
0x4b: {  	_ =	shalt  }
0x4c: {  	_ =	shalt  }
0x4d: {  	_ =	shalt  }
0x4e: {  	_ =	shalt  }
0x4f: {  	_ =	shalt  }
0x50: {  	_ =	shalt  }
0x51: {  	_ =	shalt  }
0x52: {  	_ =	shalt  }
0x53: {  	_ =	shalt  }
0x54: {  	_ =	shalt  }
0x55: {  	_ =	shalt  }
0x56: {  	_ =	shalt  }
0x57: {  	_ =	shalt  }
0x58: {  	_ =	shalt  }
0x59: {  	_ =	shalt  }
0x5a: {  	_ =	shalt  }
0x5b: {  	_ =	shalt  }
0x5c: {  	_ =	shalt  }
0x5d: {  	_ =	shalt  }
0x5e: {  	_ =	shalt  }
0x5f: {  	_ =	shalt  }
0x60: {  	_ =	shalt  }
0x61: {  	_ =	shalt  }
0x62: {  	_ =	shalt  }
0x63: {  	_ =	shalt  }
0x64: {  	_ =	shalt  }
0x65: {  	_ =	shalt  }
0x66: {  	_ =	shalt  }
0x67: {  	_ =	shalt  }
0x68: {  	_ =	shalt  }
0x69: {  	_ =	shalt  }
0x6a: {  	_ =	shalt  }
0x6b: {  	_ =	shalt  }
0x6c: {  	_ =	shalt  }
0x6d: {  	_ =	shalt  }
0x6e: {  	_ =	shalt  }
0x6f: {  	_ =	shalt  }
0x70: {  	_ =	shalt  }
0x71: {  	_ =	shalt  }
0x72: {  	_ =	shalt  }
0x73: {  	_ =	shalt  }
0x74: {  	_ =	shalt  }
0x75: {  	_ =	shalt  }
0x76: {  	_ =	shalt  }
0x77: {  	_ =	shalt  }
0x78: {  	_ =	shalt  }
0x79: {  	_ =	shalt  }
0x7a: {  	_ =	shalt  }
0x7b: {  	_ =	shalt  }
0x7c: {  	_ =	shalt  }
0x7d: {  	_ =	shalt  }
0x7e: {  	_ =	shalt  }
0x7f: {  	_ =	shalt  }
0x80: {  	_ =	shalt  }
0x81: {  	_ =	shalt  }
0x82: {  	_ =	shalt  }
0x83: {  	_ =	shalt  }
0x84: {  	_ =	shalt  }
0x85: {  	_ =	shalt  }
0x86: {  	_ =	shalt  }
0x87: {  	_ =	shalt  }
.Lfunc_end0:
.L_simem_size_0:
called_computation_lowered:
.L_overlay_start_0:
0x88: {  	s2 =	sld [smem:$0x3FD9]  }
0x89: {  	s3 =	sld [smem:$0x3FFE];
	_ =	sdelay $0x1  }
0x8a: {  	s1 =	srdreg.scid  }
0x8b: {  	s0 =	sand.u32 $0x1, s1  }
0x8c: {  	s14 =	sshll.u32 s0, $0xA;
	s2 =	sadd.s32 s3, s2  }
0x8d: {  	s2 =	sadd.s32 s2, s14  }
0x8e: {  	[smem:$0x3FC5] =	sst s2  }
0x8f: {  	_ = 	snop  }
0x90: {  	s2 =	sld [smem:$0x3FD0]  }
0x91: {  	s15 =	sld [smem:$0x3FC9]  }
0x92: {  	s4 =	sld [smem:$0x3FC8]  }
0x93: {  	s6 =	simm.s32 $0xA;
	s7 =	simm.s32 $0x10;
	s5 =	sld [smem:$0x3FC7]  }
0x94: {  	[smem:s7], [sflag:s6] =	dma.local [hbm:s2], $0x1  }
0x95: {  	_ =	swait.eq [sflag:s6], $0x1  }
0x96: {  	s16 =	sld [smem:$0x10]  }
0x97: {  	s17 =	sld [smem:$0x11]  }
0x98: {  	s8 =	sld [smem:$0x12];
	[sflag:s6] =	ssyncset.done $0x0  }
0x99: {  	s9 =	sld [smem:$0x13];
	[sflag:s6] =	ssyncadd.s32 $0xFFFFFFFF  }
0x9a: {  	s18 =	sld [smem:$0x14];
	(tm) =	ssettm $0x1  }
0x9b: {  	s10 =	sld [smem:$0x3FFB];
	_ =	sdelay $0x3  }
0x9c: {  	_ =	strace s10  }
0x9d: {  	s10 =	sld [smem:$0x3FFC];
	_ =	sdelay $0x3  }
0x9e: {  	_ =	strace s10  }
0x9f: {  	s10 =	sld [smem:$0x3FFD];
	_ =	sdelay $0x3  }
0xa0: {  	_ =	strace s10  }
0xa1: {  	_ =	strace $0x8FFFFFFF  }
0xa2: {  	s19 =	sld [smem:$0x3FDB];
	_ =	sdelay $0x1  }
0xa3: {  	s11 =	simm.s32 $_scs_section_size  }
0xa4: {  	s12 =	simm.s32 $_size__tile_overlayer_lowered;
	s13 =	simm.s32 $_tile_overlayer_lowered  }
0xa5: {  	s22 =	simm.s32 $0x1BFF;
	s21 =	sshll.u32 s13, $0x1;
	s10 =	sadd.s32 s11, s19  }
0xa6: {  	s20 =	sshll.u32 s12, $0x1;
	s14 =	simm.s32 $0x0;
	s12 =	sadd.s32 s21, s10  }
0xa7: {  	[timem:s14], [sflag:s22] =	dma.local [hbm:s12], s20  }
0xa8: {  	_ =	swait.ge [sflag:s22], s20  }
0xa9: {  	s11 =	ssub.s32 $0x0, s20;
	[sflag:s22] =	ssyncset.done $0x0  }
0xaa: {  	[sflag:s22] =	ssyncadd.s32 s11;
	_ =	sdelay $0x1  }
0xab: {  	s23 =	simm.s32 $0x1B8B  }
0xac: {  	_ =	swait.ge [sflag:s23], $0x1  }
0xad: {  	[sflag:s23] =	ssyncset.done $0x0  }
0xae: {  	s25 =	simm.s32 $0x1B8E;
	s24 =	sld [smem:$0x3FFE];
	[sflag:s23] =	ssyncadd.s32 $0xFFFFFFFF  }
0xaf: {  	s26 =	simm.s32 $execute0_lowered;
	[smem:$0x3FD2] =	sst s25  }
0xb0: {  	s12 =	sshll.u32 s26, $0x1;
	_ =	strace $0x80000046;
	[dreg:$0x1] =	wrdreg $0xFFFFFFFF  }
0xb1: {  	s28 =	simm.s32 $_size_execute0_lowered;
	s10 =	sadd.s32 s10, s12;
	[dreg:$0x0] =	wrdreg $0x0  }
0xb2: {  	s12 =	sshll.u32 s28, $0x1;
	[dreg:$0x2] =	wrdreg s10  }
0xb3: {  	[dreg:$0x3] =	wrdreg s12  }
0xb4: {  	[dreg:$0x4] =	wrdreg $0xC0  }
0xb5: {  	_ =	task [dreg:s14], $0x5FFFF  }
0xb6: {  	[dreg:$0x1] =	wrdreg $0xFFFFFFFF  }
0xb7: {  	[dreg:$0x0] =	wrdreg $0x60  }
0xb8: {  	[dreg:$0x2] =	wrdreg s15  }
0xb9: {  	[dreg:$0x3] =	wrdreg s4  }
0xba: {  	[dreg:$0x4] =	wrdreg s5  }
0xbb: {  	[dreg:$0x5] =	wrdreg s16  }
0xbc: {  	[dreg:$0x6] =	wrdreg s17  }
0xbd: {  	[dreg:$0x7] =	wrdreg s8  }
0xbe: {  	[dreg:$0x8] =	wrdreg s9  }
0xbf: {  	[dreg:$0x9] =	wrdreg s18  }
0xc0: {  	[dreg:$0xa] =	wrdreg s24  }
0xc1: {  	[dreg:$0xb] =	wrdreg $0x9  }
0xc2: {  	_ =	task.clear_ibuf [dreg:s14], $0xCFFFF;
	_ =	strace $0x90000046  }
0xc3: {  	s29 =	simm.s32 $0x9;
	_ =	strace $0x80000048  }
0xc4: {  	_ =	swait.ge [sflag:s29], $0x1  }
0xc5: {  	[sflag:s29] =	ssyncadd.s32 $0xFFFFFFFF  }
0xc6: {  	_ =	strace $0x90000048  }
0xc7: {  	_ =	sfence  }
0xc8: {  	s30 =	sld [smem:$0x0];
	_ =	sdelay $0x2  }
0xc9: {  	s31 =	sshll.u32 s1, $0xD;
	s1 =	sshrl.u32 s1, $0x2  }
0xca: {  	s3 =	sand.u32 $0x4000, s31;
	s1 =	sadd.s32 s1, s30  }
0xcb: {  	s0 =	sor.u32 s3, s0;
	s1 =	sshll.u32 s1, $0x11  }
0xcc: {  	s0 =	sor.u32 s1, s0  }
0xcd: {  	s0 =	sadd.s32 $0x8F2B, s0  }
0xce: {  	[sflag:s0] =	ssyncadd.remote.s32 $0x1  }
0xcf: {  	_ =	sfence.sel $0xFFFF  }
0xd0: {  	[dreg:$0x0] =	wrdreg $0xFFFFFFFF;
	(pc) =	sbr.abs _section_cstart, $3  }
0xd1: {  	[dreg:$0x1] =	wrdreg $0xFFFFFFFF  }
0xd2: {  	_ =	task.clear_ibuf [dreg:s14], $0x2FFFF;
	_ =	strace $0x9FFFFFFF  }
0xd3: {  	(tm) =	ssettm $0x7FFFFFFF  }
tec
execute0_lowered:
.L_overlay_start_1:
0x0: {  	(tag) =	ssettag $0x1  }
0x1: {  	s0 =	rddreg [dreg:$0x0]  }
0x2: {  	s1 =	rddreg [dreg:$0x1]  }
0x3: {  	s2 =	rddreg [dreg:$0x2]  }
0x4: {  	s3 =	rddreg [dreg:$0x3]  }
0x5: {  	s4 =	srdreg.scid;
	s5 =	rddreg [dreg:$0x4]  }
0x6: {  	s9 =	stileid.u32;
	s7 =	rddreg [dreg:$0x5]  }
0x7: {  	s8 =	rddreg [dreg:$0x6];
	s4 =	sand.u32 $0x1, s4;
	s6 =	sshll.u32 s9, $0x1  }
0x8: {  	s12 =	rddreg [dreg:$0x8];
	s9 =	sshrl.u32 s9, $0x2;
	s6 =	sor.u32 s4, s6  }
0x9: {  	s4 =	ssub.s32 $0x2, s4;
	s10 =	sshll.u32 s6, $0x7;
	s26 =	smul.u32 $0x2710, s6  }
0xa: {  	s11 =	sshll.u32 s9, $0xA;
	s14 =	sshrl.u32 s4, $0x1;
	s13 =	sand.u32 $0x380, s10  }
0xb: {  	s4 =	ssub.s32 s4, s14;
	s11 =	sor.u32 s11, s13;
	s15 =	sshrl.u32 s26, $0x3  }
0xc: {  	s26 =	rddreg [dreg:$0x7];
	s11 =	sshrl.u32 s11, $0x3;
	s10 =	sadd.s32 s0, s15  }
0xd: {  	s22 =	sadd.s32 s11, s12;
	[dreg:$0xa] =	wrdreg s10;
	s11 =	sadd.s32 s1, s15  }
0xe: {  	s14 =	sadd.s32 $0xFA, s15;
	s12 =	sadd.s32 s2, s15;
	[dreg:$0xb] =	wrdreg s11  }
0xf: {  	s28 =	simm.s32 $0x1;
	s16 =	sadd.s32 s0, s14;
	[dreg:$0xc] =	wrdreg s12  }
0x10: {  	s29 =	simm.s32 $0x1800;
	s17 =	sadd.s32 s1, s14;
	[dreg:$0xd] =	wrdreg s16  }
0x11: {  	s18 =	sadd.s32 $0x1F4, s15;
	s10 =	sadd.s32 s2, s14;
	[dreg:$0xe] =	wrdreg s17  }
0x12: {  	s30 =	simm.s32 $0x2000;
	s19 =	sadd.s32 s0, s18;
	[dreg:$0xf] =	wrdreg s10  }
0x13: {  	s6 =	smul.u32 $0x502, s6;
	s21 =	sadd.s32 s1, s18;
	[dreg:$0x10] =	wrdreg s19  }
0x14: {  	s20 =	sadd.s32 $0x2EE, s15;
	s23 =	sadd.s32 s2, s18;
	[dreg:$0x11] =	wrdreg s21  }
0x15: {  	s31 =	simm.s32 $0x2800;
	s24 =	sadd.s32 s0, s20;
	[dreg:$0x12] =	wrdreg s23  }
0x16: {  	s25 =	smul.u32 $0x27400, s9;
	s18 =	sadd.s32 s7, s6;
	[dreg:$0x13] =	wrdreg s24  }
0x17: {  	s11 =	sadd.s32 s1, s20;
	s16 =	sadd.s32 $0x3E8, s15;
	s12 =	sadd.s32 s2, s20  }
0x18: {  	s17 =	sadd.s32 s5, s6;
	s19 =	sadd.s32 s8, s6;
	s20 =	simm.s32 $0x0  }
0x19: {  	s21 =	sadd.s32 s26, s6;
	s22 =	sadd.s32 $0x800, s22;
	s24 =	smax.u32 s4, $0x1  }
.Ltmp0:
0x1a: {  	s26 =	simm.s32 $0x1000;
	s14 =	sadd.s32 s0, s16;
	(pc) =	sbr.rel .LBB2_1-.Ltmp0, $4  }
0x1b: {  	s15 =	sadd.s32 s1, s16;
	s16 =	sadd.s32 s2, s16;
	s0 =	sor.u32 s25, s13  }
0x1c: {  	[smem:$0x7FF] =	sst s20;
	s25 =	simm.s32 $0x800;
	s13 =	simm.s32 $0xD280  }
0x1d: {  	v0 =	vimm.f32 $0.0e+00;
	v1 =	vimm.f32 $1.000000000e+00;
	v2 =	vimm.s32 $0x0;
	s1 =	simm.s32 $0x3;
	s2 =	simm.s32 $0x0;
	s0 =	sshrl.u32 s0, $0x3  }
0x1e: {  	v3 =	vimm.s32 $0x2710;
	vm0 =	vcmask $0x300;
	vm1 =	vcmask $0x704;
	_ =	strace $0x80000047;
	s23 =	sadd.s32 s3, s0;
	s0 =	simm.s32 $0x2  }
.LBB2_19:
0x1f: {  	s3 =	sshra.s32 s3, $0x8  }
0x20: {  	v4 =	vmov s3  }
0x21: {  	s4 =	sshra.s32 s5, $0x8;
	v4 =	vnsel vm0, $0x0, v4  }
0x22: {  	v4 =	vsel vm1, s4, v4  }
0x23: {  	s5 =	simm.s32 $0x3000;
	[tilespmem:$0xD200] =	vst v4  }
0x24: {  	[hbm4b:s17+s20] =	stream.linear.scatter [tilespmem:s5], [sflag:$0x3], $0x2810, $0x38;
	[tilespmem:$0x12100] =	vst v63  }
0x25: {  	_ =	swait.ge [sflag:s1], $0x2810  }
0x26: {  	[sflag:s1] =	ssyncset.done $0x0  }
0x27: {  	s6 =	simm.s32 $0x5880;
	[sflag:s1] =	ssyncadd.s32 $0xFFFFD7F0  }
0x28: {  	[hbm4b:s18+s20] =	stream.linear.scatter [tilespmem:s6], [sflag:$0x3], $0x2810, $0x38;
	[tilespmem:$0x12100] =	vst v63  }
0x29: {  	_ =	swait.ge [sflag:s1], $0x2810  }
0x2a: {  	[sflag:s1] =	ssyncset.done $0x0  }
0x2b: {  	s7 =	simm.s32 $0x8100;
	[sflag:s1] =	ssyncadd.s32 $0xFFFFD7F0  }
0x2c: {  	[hbm4b:s19+s20] =	stream.linear.scatter [tilespmem:s7], [sflag:$0x3], $0x2810, $0x38;
	[tilespmem:$0x12100] =	vst v63  }
0x2d: {  	_ =	swait.ge [sflag:s1], $0x2810  }
0x2e: {  	[sflag:s1] =	ssyncset.done $0x0  }
0x2f: {  	s8 =	simm.s32 $0xA980;
	[sflag:s1] =	ssyncadd.s32 $0xFFFFD7F0  }
0x30: {  	[hbm4b:s21+s20] =	stream.linear.scatter [tilespmem:s8], [sflag:$0x3], $0x2810, $0x38;
	[tilespmem:$0x12100] =	vst v63  }
0x31: {  	_ =	swait.ge [sflag:s1], $0x2810  }
0x32: {  	[sflag:s1] =	ssyncset.done $0x0  }
0x33: {  	s9 =	simm.s32 $0xD200;
	[sflag:s1] =	ssyncadd.s32 $0xFFFFD7F0  }
0x34: {  	[hbm4b:s22+s20] =	stream.linear.scatter [tilespmem:s9], [sflag:$0x3], $0x80, $0x38;
	[tilespmem:$0x12100] =	vst v63  }
0x35: {  	s2 =	sadd.s32 $0x1, s2;
	_ =	swait.ge [sflag:s1], $0x80  }
0x36: {  	s10 =	simm.s32 $0x80;
	p0 =	sne.s32 s2, s24;
	[sflag:s1] =	ssyncset.done $0x0  }
.Ltmp1:
0x37: {  	s4 =	simm.s32 $0x400;
	[sflag:s1] =	ssyncadd.s32 $0xFFFFFF80;
	(pc) =	sbr.rel @!p0 .LBB2_20-.Ltmp1, $4  }
0x38: {  	[hbm4b:s23+s10] =	stream.strided.scatter [tilespmem:s13], [sflag:$0x3], $0x4E80, s4, s10, $0x38;
	[tilespmem:$0x12100] =	vst v63  }
0x39: {  	_ =	swait.ge [sflag:s1], $0x4E80  }
0x3a: {  	[sflag:s1] =	ssyncset.done $0x0  }
0x3b: {  	[sflag:s1] =	ssyncadd.s32 $0xFFFFB180  }
.LBB2_1:
0x3c: {  	s3 =	simm.s32 $0x40;
	s4 =	simm.s32 $0x0  }
.LBB2_2:
0x3d: {  	p0 =	sne.s32 s3, $0x13840;
	[tilespmem:s4+$0xD280] =	vst v0;
	s4 =	smov.u32 s3;
	s3 =	sadd.s32 $0x40, s3  }
.Ltmp2:
0x3e: {  	(pc) =	sbr.rel @p0 .LBB2_2-.Ltmp2, $2  }
0x3f: {  	_ =	sdelay $0x2  }
0x40: {  	s4 =	sshra.s32 s4, $0x2  }
0x41: {  	[tilespmem:s4+$0xD280] =	vst v0;
	s3 =	simm.s32 $0x0;
	s9 =	rddreg [dreg:$0xa]  }
0x42: {  	[tilespmem:s3], [sflag:$0x1] =	stream.linear.gather [hbm4b:s9+s3], $0x7D0, $0x38;
	[tilespmem:$0x12100] =	vst v63  }
0x43: {  	s10 =	rddreg [dreg:$0xb]  }
0x44: {  	[tilespmem:s25], [sflag:$0x1] =	stream.linear.gather [hbm4b:s10+s3], $0x7D0, $0x38;
	[tilespmem:$0x12100] =	vst v63  }
0x45: {  	s5 =	rddreg [dreg:$0xc]  }
0x46: {  	[tilespmem:s26], [sflag:$0x1] =	stream.linear.gather [hbm4b:s5+s3], $0x7D0, $0x38;
	[tilespmem:$0x12100] =	vst v63  }
0x47: {  	_ =	swait.ge [sflag:s28], $0x7D0  }
0x48: {  	[sflag:s28] =	ssyncset.done $0x0  }
0x49: {  	[sflag:s28] =	ssyncadd.s32 $0xFFFFF830  }
0x4a: {  	_ =	swait.ge [sflag:s28], $0x7D0  }
0x4b: {  	[sflag:s28] =	ssyncset.done $0x0  }
0x4c: {  	[sflag:s28] =	ssyncadd.s32 $0xFFFFF830  }
0x4d: {  	_ =	swait.ge [sflag:s28], $0x7D0  }
0x4e: {  	[sflag:s28] =	ssyncset.done $0x0  }
0x4f: {  	s6 =	rddreg [dreg:$0xd];
	[sflag:s28] =	ssyncadd.s32 $0xFFFFF830  }
0x50: {  	[tilespmem:s29], [sflag:$0x2] =	stream.linear.gather [hbm4b:s6+s3], $0x7D0, $0x38;
	[tilespmem:$0x12100] =	vst v63  }
0x51: {  	s7 =	rddreg [dreg:$0xe]  }
0x52: {  	[tilespmem:s30], [sflag:$0x2] =	stream.linear.gather [hbm4b:s7+s3], $0x7D0, $0x38;
	[tilespmem:$0x12100] =	vst v63  }
0x53: {  	s9 =	simm.s32 $0x0;
	s8 =	rddreg [dreg:$0xf]  }
0x54: {  	[tilespmem:s31], [sflag:$0x2] =	stream.linear.gather [hbm4b:s8+s3], $0x7D0, $0x38;
	[tilespmem:$0x12100] =	vst v63  }
0x55: {  	v4 =	vld [tilespmem:s9+$0x1000];
	_ =	sdelay $0x4  }
0x56: {  	vm2 =	veq.s32 v4, $0x0  }
0x57: {  	v5 =	vsel vm2, $0x1, v2  }
0x58: {  	(xrf0) =	vadd.scan.msk.s32 $0xffff, v5;
	_ =	sdelay $0x1  }
0x59: {  	v5 =	vld [tilespmem:s9+$0x800];
	_ =	sdelay $0x1  }
0x5a: {  	v6 =	vld [tilespmem:s9+$0x0];
	_ =	sdelay $0x1  }
0x5b: {  	v7, _, _ =	vpop (xrf0)  }
0x5c: {  	(v2sf) =	vpush v7, $0xF;
	v7 =	vshll.u32 v5, $0x1  }
0x5d: {  	v7 =	vadd.s32 v4, v7  }
0x5e: {  	[tilespmem:s3+$0x3000] =	vst.msk vm2, v6  }
0x5f: {  	vm3 =	vne.s32 v4, $0x0;
	[tilespmem:s3+$0x5880] =	vst.msk vm2, v5  }
0x60: {  	[tilespmem:s3+$0x8100] =	vst.msk vm3, v6  }
0x61: {  	[tilespmem:s3+$0xA980] =	vst.msk vm3, v5  }
0x62: {  	s10 =	simm.s32 $0x10;
	[tilespmem:v7+s13+$0x0] =	vst.idx.add.f32.msk $0xffff, v1  }
0x63: {  	v4 =	vld [tilespmem:s10+$0x1000];
	_ =	sdelay $0x4  }
0x64: {  	v5 =	vld [tilespmem:s10+$0x800];
	vm2 =	veq.s32 v4, $0x0  }
0x65: {  	v6 =	vsel vm2, $0x1, v2  }
0x66: {  	(xrf0) =	vadd.scan.msk.s32 $0xffff, v6  }
0x67: {  	v6 =	vld [tilespmem:s10+$0x0];
	_ =	sdelay $0x1  }
0x68: {  	v7 =	vshll.u32 v5, $0x1;
	s5 =	spop (v2sf)  }
0x69: {  	s4 =	simm.s32 $0x80;
	v7 =	vadd.s32 v4, v7;
	s3 =	sadd.s32 $0x0, s5;
	s5 =	ssub.s32 $0x0, s5  }
.LBB2_4:
0x6a: {  	p0 =	sne.s32 s4, $0x1F00  }
0x6b: {  	[tilespmem:s3+$0x3000] =	vst.msk vm2, v6;
	v8, _, _ =	vpop (xrf0);
	s5 =	sadd.s32 $0x10, s5;
	s6 =	smov.u32 s4;
	s4 =	sadd.s32 $0x40, s4  }
0x6c: {  	vm3 =	vne.s32 v4, $0x0;
	[tilespmem:s3+$0x5880] =	vst.msk vm2, v5;
	(v2sf) =	vpush v8, $0xF  }
0x6d: {  	[tilespmem:s5+$0x8100] =	vst.msk vm3, v6  }
0x6e: {  	[tilespmem:s5+$0xA980] =	vst.msk vm3, v5  }
0x6f: {  	s6 =	sshra.s32 s6, $0x2;
	[tilespmem:v7+s13+$0x0] =	vst.idx.add.f32.msk $0xffff, v1  }
0x70: {  	v4 =	vld [tilespmem:s6+$0x1000];
	_ =	sdelay $0x4  }
0x71: {  	vm2 =	veq.s32 v4, $0x0  }
0x72: {  	v5 =	vld [tilespmem:s6+$0x800];
	v6 =	vsel vm2, $0x1, v2  }
0x73: {  	(xrf0) =	vadd.scan.msk.s32 $0xffff, v6  }
.Ltmp3:
0x74: {  	v6 =	vld [tilespmem:s6+$0x0];
	(pc) =	sbr.rel @p0 .LBB2_4-.Ltmp3, $3  }
0x75: {  	_ =	sdelay $0x1  }
0x76: {  	v7 =	vshll.u32 v5, $0x1;
	s6 =	spop (v2sf)  }
0x77: {  	v7 =	vadd.s32 v4, v7;
	s3 =	sadd.s32 s3, s6;
	s5 =	ssub.s32 s5, s6  }
0x78: {  	v8, _, _ =	vpop (xrf0)  }
0x79: {  	(v2sf) =	vpush v8, $0xF;
	_ =	sdelay $0xa  }
0x7a: {  	[tilespmem:s3+$0x3000] =	vst.msk vm2, v6  }
0x7b: {  	s4 =	sadd.s32 $0x10, s5;
	vm3 =	vne.s32 v4, $0x0;
	[tilespmem:s3+$0x5880] =	vst.msk vm2, v5  }
0x7c: {  	[tilespmem:s4+$0x8100] =	vst.msk vm3, v6  }
0x7d: {  	[tilespmem:s4+$0xA980] =	vst.msk vm3, v5  }
0x7e: {  	[tilespmem:v7+s13+$0x0] =	vst.idx.add.f32.msk $0xffff, v1;
	s5 =	spop (v2sf)  }
0x7f: {  	_ =	swait.ge [sflag:s0], $0x7D0  }
0x80: {  	[sflag:s0] =	ssyncset.done $0x0  }
0x81: {  	[sflag:s0] =	ssyncadd.s32 $0xFFFFF830  }
0x82: {  	_ =	swait.ge [sflag:s0], $0x7D0  }
0x83: {  	[sflag:s0] =	ssyncset.done $0x0  }
0x84: {  	[sflag:s0] =	ssyncadd.s32 $0xFFFFF830  }
0x85: {  	_ =	swait.ge [sflag:s0], $0x7D0  }
0x86: {  	[sflag:s0] =	ssyncset.done $0x0  }
0x87: {  	s6 =	simm.s32 $0x0;
	s7 =	rddreg [dreg:$0x10];
	[sflag:s0] =	ssyncadd.s32 $0xFFFFF830  }
0x88: {  	[tilespmem:s6], [sflag:$0x1] =	stream.linear.gather [hbm4b:s7+s6], $0x7D0, $0x38;
	[tilespmem:$0x12100] =	vst v63  }
0x89: {  	s9 =	rddreg [dreg:$0x11]  }
0x8a: {  	[tilespmem:s25], [sflag:$0x1] =	stream.linear.gather [hbm4b:s9+s6], $0x7D0, $0x38;
	[tilespmem:$0x12100] =	vst v63  }
0x8b: {  	s10 =	rddreg [dreg:$0x12];
	s7 =	simm.s32 $0x0  }
0x8c: {  	[tilespmem:s26], [sflag:$0x1] =	stream.linear.gather [hbm4b:s10+s6], $0x7D0, $0x38;
	[tilespmem:$0x12100] =	vst v63  }
0x8d: {  	v4 =	vld [tilespmem:s7+$0x2800];
	_ =	sdelay $0x4  }
0x8e: {  	vm2 =	veq.s32 v4, $0x0  }
0x8f: {  	v5 =	vsel vm2, $0x1, v2  }
0x90: {  	(xrf0) =	vadd.scan.msk.s32 $0xffff, v5;
	_ =	sdelay $0x1  }
0x91: {  	v5 =	vld [tilespmem:s7+$0x2000];
	_ =	sdelay $0x1  }
0x92: {  	v6 =	vld [tilespmem:s7+$0x1800];
	_ =	sdelay $0x1  }
0x93: {  	v7, _, _ =	vpop (xrf0)  }
0x94: {  	(v2sf) =	vpush v7, $0xF;
	v7 =	vshll.u32 v5, $0x1  }
0x95: {  	s8 =	sadd.s32 s3, s5;
	v7 =	vadd.s32 v4, v7  }
0x96: {  	s4 =	ssub.s32 s4, s5;
	[tilespmem:s8+$0x3000] =	vst.msk vm2, v6  }
0x97: {  	s5 =	sadd.s32 $0x10, s4;
	vm3 =	vne.s32 v4, $0x0;
	[tilespmem:s8+$0x5880] =	vst.msk vm2, v5  }
0x98: {  	[tilespmem:s5+$0x8100] =	vst.msk vm3, v6  }
0x99: {  	[tilespmem:s5+$0xA980] =	vst.msk vm3, v5  }
0x9a: {  	s9 =	simm.s32 $0x10;
	[tilespmem:v7+s13+$0x0] =	vst.idx.add.f32.msk $0xffff, v1  }
0x9b: {  	v4 =	vld [tilespmem:s9+$0x2800];
	_ =	sdelay $0x4  }
0x9c: {  	v5 =	vld [tilespmem:s9+$0x2000];
	vm2 =	veq.s32 v4, $0x0  }
0x9d: {  	v7 =	vsel vm2, $0x1, v2  }
0x9e: {  	(xrf0) =	vadd.scan.msk.s32 $0xffff, v7  }
0x9f: {  	v6 =	vld [tilespmem:s9+$0x1800];
	_ =	sdelay $0x1  }
0xa0: {  	v8 =	vshll.u32 v5, $0x1;
	s10 =	spop (v2sf)  }
0xa1: {  	s4 =	simm.s32 $0x80;
	v7 =	vadd.s32 v4, v8;
	s3 =	sadd.s32 s8, s10;
	s5 =	ssub.s32 s5, s10  }
.LBB2_6:
0xa2: {  	p0 =	sne.s32 s4, $0x1F00  }
0xa3: {  	[tilespmem:s3+$0x3000] =	vst.msk vm2, v6;
	v8, _, _ =	vpop (xrf0);
	s5 =	sadd.s32 $0x10, s5;
	s6 =	smov.u32 s4;
	s4 =	sadd.s32 $0x40, s4  }
0xa4: {  	vm3 =	vne.s32 v4, $0x0;
	[tilespmem:s3+$0x5880] =	vst.msk vm2, v5;
	(v2sf) =	vpush v8, $0xF  }
0xa5: {  	[tilespmem:s5+$0x8100] =	vst.msk vm3, v6  }
0xa6: {  	[tilespmem:s5+$0xA980] =	vst.msk vm3, v5  }
0xa7: {  	s6 =	sshra.s32 s6, $0x2;
	[tilespmem:v7+s13+$0x0] =	vst.idx.add.f32.msk $0xffff, v1  }
0xa8: {  	v4 =	vld [tilespmem:s6+$0x2800];
	_ =	sdelay $0x4  }
0xa9: {  	vm2 =	veq.s32 v4, $0x0  }
0xaa: {  	v5 =	vld [tilespmem:s6+$0x2000];
	v6 =	vsel vm2, $0x1, v2  }
0xab: {  	(xrf0) =	vadd.scan.msk.s32 $0xffff, v6  }
.Ltmp4:
0xac: {  	v6 =	vld [tilespmem:s6+$0x1800];
	(pc) =	sbr.rel @p0 .LBB2_6-.Ltmp4, $3  }
0xad: {  	_ =	sdelay $0x1  }
0xae: {  	v7 =	vshll.u32 v5, $0x1;
	s6 =	spop (v2sf)  }
0xaf: {  	v7 =	vadd.s32 v4, v7;
	s3 =	sadd.s32 s3, s6;
	s5 =	ssub.s32 s5, s6  }
0xb0: {  	v8, _, _ =	vpop (xrf0)  }
0xb1: {  	(v2sf) =	vpush v8, $0xF;
	_ =	sdelay $0xa  }
0xb2: {  	[tilespmem:s3+$0x3000] =	vst.msk vm2, v6  }
0xb3: {  	s4 =	sadd.s32 $0x10, s5;
	vm3 =	vne.s32 v4, $0x0;
	[tilespmem:s3+$0x5880] =	vst.msk vm2, v5  }
0xb4: {  	[tilespmem:s4+$0x8100] =	vst.msk vm3, v6  }
0xb5: {  	[tilespmem:s4+$0xA980] =	vst.msk vm3, v5  }
0xb6: {  	[tilespmem:v7+s13+$0x0] =	vst.idx.add.f32.msk $0xffff, v1;
	s10 =	spop (v2sf)  }
0xb7: {  	_ =	swait.ge [sflag:s28], $0x7D0  }
0xb8: {  	[sflag:s28] =	ssyncset.done $0x0  }
0xb9: {  	[sflag:s28] =	ssyncadd.s32 $0xFFFFF830  }
0xba: {  	_ =	swait.ge [sflag:s28], $0x7D0  }
0xbb: {  	[sflag:s28] =	ssyncset.done $0x0  }
0xbc: {  	[sflag:s28] =	ssyncadd.s32 $0xFFFFF830  }
0xbd: {  	_ =	swait.ge [sflag:s28], $0x7D0  }
0xbe: {  	[sflag:s28] =	ssyncset.done $0x0  }
0xbf: {  	s6 =	simm.s32 $0x0;
	s7 =	rddreg [dreg:$0x13];
	[sflag:s28] =	ssyncadd.s32 $0xFFFFF830  }
0xc0: {  	[tilespmem:s29], [sflag:$0x2] =	stream.linear.gather [hbm4b:s7+s6], $0x7D0, $0x38;
	[tilespmem:$0x12100] =	vst v63  }
0xc1: {  	_ = 	snop  }
0xc2: {  	[tilespmem:s30], [sflag:$0x2] =	stream.linear.gather [hbm4b:s11+s6], $0x7D0, $0x38;
	[tilespmem:$0x12100] =	vst v63  }
0xc3: {  	s7 =	simm.s32 $0x0  }
0xc4: {  	[tilespmem:s31], [sflag:$0x2] =	stream.linear.gather [hbm4b:s12+s6], $0x7D0, $0x38;
	[tilespmem:$0x12100] =	vst v63  }
0xc5: {  	v4 =	vld [tilespmem:s7+$0x1000];
	_ =	sdelay $0x4  }
0xc6: {  	vm2 =	veq.s32 v4, $0x0  }
0xc7: {  	v5 =	vsel vm2, $0x1, v2  }
0xc8: {  	(xrf0) =	vadd.scan.msk.s32 $0xffff, v5;
	_ =	sdelay $0x1  }
0xc9: {  	v5 =	vld [tilespmem:s7+$0x800];
	_ =	sdelay $0x1  }
0xca: {  	v6 =	vld [tilespmem:s7+$0x0];
	_ =	sdelay $0x1  }
0xcb: {  	v7, _, _ =	vpop (xrf0)  }
0xcc: {  	(v2sf) =	vpush v7, $0xF;
	v7 =	vshll.u32 v5, $0x1  }
0xcd: {  	s8 =	sadd.s32 s3, s10;
	v7 =	vadd.s32 v4, v7  }
0xce: {  	s4 =	ssub.s32 s4, s10;
	[tilespmem:s8+$0x3000] =	vst.msk vm2, v6  }
0xcf: {  	s5 =	sadd.s32 $0x10, s4;
	vm3 =	vne.s32 v4, $0x0;
	[tilespmem:s8+$0x5880] =	vst.msk vm2, v5  }
0xd0: {  	[tilespmem:s5+$0x8100] =	vst.msk vm3, v6  }
0xd1: {  	[tilespmem:s5+$0xA980] =	vst.msk vm3, v5  }
0xd2: {  	s9 =	simm.s32 $0x10;
	[tilespmem:v7+s13+$0x0] =	vst.idx.add.f32.msk $0xffff, v1  }
0xd3: {  	v4 =	vld [tilespmem:s9+$0x1000];
	_ =	sdelay $0x4  }
0xd4: {  	v5 =	vld [tilespmem:s9+$0x800];
	vm2 =	veq.s32 v4, $0x0  }
0xd5: {  	v7 =	vsel vm2, $0x1, v2  }
0xd6: {  	(xrf0) =	vadd.scan.msk.s32 $0xffff, v7  }
0xd7: {  	v6 =	vld [tilespmem:s9+$0x0];
	_ =	sdelay $0x1  }
0xd8: {  	v8 =	vshll.u32 v5, $0x1;
	s10 =	spop (v2sf)  }
0xd9: {  	s4 =	simm.s32 $0x80;
	v7 =	vadd.s32 v4, v8;
	s3 =	sadd.s32 s8, s10;
	s5 =	ssub.s32 s5, s10  }
.LBB2_8:
0xda: {  	p0 =	sne.s32 s4, $0x1F00  }
0xdb: {  	[tilespmem:s3+$0x3000] =	vst.msk vm2, v6;
	v8, _, _ =	vpop (xrf0);
	s5 =	sadd.s32 $0x10, s5;
	s6 =	smov.u32 s4;
	s4 =	sadd.s32 $0x40, s4  }
0xdc: {  	vm3 =	vne.s32 v4, $0x0;
	[tilespmem:s3+$0x5880] =	vst.msk vm2, v5;
	(v2sf) =	vpush v8, $0xF  }
0xdd: {  	[tilespmem:s5+$0x8100] =	vst.msk vm3, v6  }
0xde: {  	[tilespmem:s5+$0xA980] =	vst.msk vm3, v5  }
0xdf: {  	s6 =	sshra.s32 s6, $0x2;
	[tilespmem:v7+s13+$0x0] =	vst.idx.add.f32.msk $0xffff, v1  }
0xe0: {  	v4 =	vld [tilespmem:s6+$0x1000];
	_ =	sdelay $0x4  }
0xe1: {  	vm2 =	veq.s32 v4, $0x0  }
0xe2: {  	v5 =	vld [tilespmem:s6+$0x800];
	v6 =	vsel vm2, $0x1, v2  }
0xe3: {  	(xrf0) =	vadd.scan.msk.s32 $0xffff, v6  }
.Ltmp5:
0xe4: {  	v6 =	vld [tilespmem:s6+$0x0];
	(pc) =	sbr.rel @p0 .LBB2_8-.Ltmp5, $3  }
0xe5: {  	_ =	sdelay $0x1  }
0xe6: {  	v7 =	vshll.u32 v5, $0x1;
	s6 =	spop (v2sf)  }
0xe7: {  	v7 =	vadd.s32 v4, v7;
	s3 =	sadd.s32 s3, s6;
	s5 =	ssub.s32 s5, s6  }
0xe8: {  	v8, _, _ =	vpop (xrf0)  }
0xe9: {  	(v2sf) =	vpush v8, $0xF;
	_ =	sdelay $0xa  }
0xea: {  	[tilespmem:s3+$0x3000] =	vst.msk vm2, v6  }
0xeb: {  	s4 =	sadd.s32 $0x10, s5;
	vm3 =	vne.s32 v4, $0x0;
	[tilespmem:s3+$0x5880] =	vst.msk vm2, v5  }
0xec: {  	[tilespmem:s4+$0x8100] =	vst.msk vm3, v6  }
0xed: {  	[tilespmem:s4+$0xA980] =	vst.msk vm3, v5  }
0xee: {  	[tilespmem:v7+s13+$0x0] =	vst.idx.add.f32.msk $0xffff, v1;
	s10 =	spop (v2sf)  }
0xef: {  	_ =	swait.ge [sflag:s0], $0x7D0  }
0xf0: {  	[sflag:s0] =	ssyncset.done $0x0  }
0xf1: {  	[sflag:s0] =	ssyncadd.s32 $0xFFFFF830  }
0xf2: {  	_ =	swait.ge [sflag:s0], $0x7D0  }
0xf3: {  	[sflag:s0] =	ssyncset.done $0x0  }
0xf4: {  	[sflag:s0] =	ssyncadd.s32 $0xFFFFF830  }
0xf5: {  	_ =	swait.ge [sflag:s0], $0x7D0  }
0xf6: {  	[sflag:s0] =	ssyncset.done $0x0  }
0xf7: {  	s6 =	simm.s32 $0x0;
	[sflag:s0] =	ssyncadd.s32 $0xFFFFF830  }
0xf8: {  	[tilespmem:s6], [sflag:$0x1] =	stream.linear.gather [hbm4b:s14+s6], $0x7D0, $0x38;
	[tilespmem:$0x12100] =	vst v63  }
0xf9: {  	_ = 	snop  }
0xfa: {  	[tilespmem:s25], [sflag:$0x1] =	stream.linear.gather [hbm4b:s15+s6], $0x7D0, $0x38;
	[tilespmem:$0x12100] =	vst v63  }
0xfb: {  	s7 =	simm.s32 $0x0  }
0xfc: {  	[tilespmem:s26], [sflag:$0x1] =	stream.linear.gather [hbm4b:s16+s6], $0x7D0, $0x38;
	[tilespmem:$0x12100] =	vst v63  }
0xfd: {  	v4 =	vld [tilespmem:s7+$0x2800];
	_ =	sdelay $0x4  }
0xfe: {  	vm2 =	veq.s32 v4, $0x0  }
0xff: {  	v5 =	vsel vm2, $0x1, v2  }
0x100: {  	(xrf0) =	vadd.scan.msk.s32 $0xffff, v5;
	_ =	sdelay $0x1  }
0x101: {  	v5 =	vld [tilespmem:s7+$0x2000];
	_ =	sdelay $0x1  }
0x102: {  	v6 =	vld [tilespmem:s7+$0x1800];
	_ =	sdelay $0x1  }
0x103: {  	v7, _, _ =	vpop (xrf0)  }
0x104: {  	(v2sf) =	vpush v7, $0xF;
	v7 =	vshll.u32 v5, $0x1  }
0x105: {  	s8 =	sadd.s32 s3, s10;
	v7 =	vadd.s32 v4, v7  }
0x106: {  	s4 =	ssub.s32 s4, s10;
	[tilespmem:s8+$0x3000] =	vst.msk vm2, v6  }
0x107: {  	s5 =	sadd.s32 $0x10, s4;
	vm3 =	vne.s32 v4, $0x0;
	[tilespmem:s8+$0x5880] =	vst.msk vm2, v5  }
0x108: {  	[tilespmem:s5+$0x8100] =	vst.msk vm3, v6  }
0x109: {  	[tilespmem:s5+$0xA980] =	vst.msk vm3, v5  }
0x10a: {  	s9 =	simm.s32 $0x10;
	[tilespmem:v7+s13+$0x0] =	vst.idx.add.f32.msk $0xffff, v1  }
0x10b: {  	v4 =	vld [tilespmem:s9+$0x2800];
	_ =	sdelay $0x4  }
0x10c: {  	v5 =	vld [tilespmem:s9+$0x2000];
	vm2 =	veq.s32 v4, $0x0  }
0x10d: {  	v7 =	vsel vm2, $0x1, v2  }
0x10e: {  	(xrf0) =	vadd.scan.msk.s32 $0xffff, v7  }
0x10f: {  	v6 =	vld [tilespmem:s9+$0x1800];
	_ =	sdelay $0x1  }
0x110: {  	v8 =	vshll.u32 v5, $0x1;
	s10 =	spop (v2sf)  }
0x111: {  	s4 =	simm.s32 $0x80;
	v7 =	vadd.s32 v4, v8;
	s3 =	sadd.s32 s8, s10;
	s5 =	ssub.s32 s5, s10  }
.LBB2_10:
0x112: {  	p0 =	sne.s32 s4, $0x1F00  }
0x113: {  	[tilespmem:s3+$0x3000] =	vst.msk vm2, v6;
	v8, _, _ =	vpop (xrf0);
	s5 =	sadd.s32 $0x10, s5;
	s6 =	smov.u32 s4;
	s4 =	sadd.s32 $0x40, s4  }
0x114: {  	vm3 =	vne.s32 v4, $0x0;
	[tilespmem:s3+$0x5880] =	vst.msk vm2, v5;
	(v2sf) =	vpush v8, $0xF  }
0x115: {  	[tilespmem:s5+$0x8100] =	vst.msk vm3, v6  }
0x116: {  	[tilespmem:s5+$0xA980] =	vst.msk vm3, v5  }
0x117: {  	s6 =	sshra.s32 s6, $0x2;
	[tilespmem:v7+s13+$0x0] =	vst.idx.add.f32.msk $0xffff, v1  }
0x118: {  	v4 =	vld [tilespmem:s6+$0x2800];
	_ =	sdelay $0x4  }
0x119: {  	vm2 =	veq.s32 v4, $0x0  }
0x11a: {  	v5 =	vld [tilespmem:s6+$0x2000];
	v6 =	vsel vm2, $0x1, v2  }
0x11b: {  	(xrf0) =	vadd.scan.msk.s32 $0xffff, v6  }
.Ltmp6:
0x11c: {  	v6 =	vld [tilespmem:s6+$0x1800];
	(pc) =	sbr.rel @p0 .LBB2_10-.Ltmp6, $3  }
0x11d: {  	_ =	sdelay $0x1  }
0x11e: {  	v7 =	vshll.u32 v5, $0x1;
	s6 =	spop (v2sf)  }
0x11f: {  	v7 =	vadd.s32 v4, v7;
	s3 =	sadd.s32 s3, s6;
	s5 =	ssub.s32 s5, s6  }
0x120: {  	v8, _, _ =	vpop (xrf0)  }
0x121: {  	(v2sf) =	vpush v8, $0xF;
	_ =	sdelay $0xa  }
0x122: {  	[tilespmem:s3+$0x3000] =	vst.msk vm2, v6  }
0x123: {  	s4 =	sadd.s32 $0x10, s5;
	vm3 =	vne.s32 v4, $0x0;
	[tilespmem:s3+$0x5880] =	vst.msk vm2, v5  }
0x124: {  	[tilespmem:s4+$0x8100] =	vst.msk vm3, v6  }
0x125: {  	[tilespmem:s4+$0xA980] =	vst.msk vm3, v5  }
0x126: {  	[tilespmem:v7+s13+$0x0] =	vst.idx.add.f32.msk $0xffff, v1;
	s7 =	spop (v2sf)  }
0x127: {  	_ =	swait.ge [sflag:s28], $0x7D0  }
0x128: {  	[sflag:s28] =	ssyncset.done $0x0  }
0x129: {  	[sflag:s28] =	ssyncadd.s32 $0xFFFFF830  }
0x12a: {  	_ =	swait.ge [sflag:s28], $0x7D0  }
0x12b: {  	[sflag:s28] =	ssyncset.done $0x0  }
0x12c: {  	[sflag:s28] =	ssyncadd.s32 $0xFFFFF830  }
0x12d: {  	_ =	swait.ge [sflag:s28], $0x7D0  }
0x12e: {  	[sflag:s28] =	ssyncset.done $0x0  }
0x12f: {  	s6 =	simm.s32 $0x0;
	[sflag:s28] =	ssyncadd.s32 $0xFFFFF830  }
0x130: {  	v4 =	vld [tilespmem:s6+$0x1000];
	_ =	sdelay $0x4  }
0x131: {  	vm2 =	veq.s32 v4, $0x0  }
0x132: {  	v5 =	vsel vm2, $0x1, v2  }
0x133: {  	(xrf0) =	vadd.scan.msk.s32 $0xffff, v5;
	_ =	sdelay $0x1  }
0x134: {  	v5 =	vld [tilespmem:s6+$0x800];
	_ =	sdelay $0x1  }
0x135: {  	v6 =	vld [tilespmem:s6+$0x0];
	_ =	sdelay $0x1  }
0x136: {  	v7, _, _ =	vpop (xrf0)  }
0x137: {  	(v2sf) =	vpush v7, $0xF;
	v7 =	vshll.u32 v5, $0x1  }
0x138: {  	s8 =	sadd.s32 s3, s7;
	v7 =	vadd.s32 v4, v7  }
0x139: {  	s9 =	ssub.s32 s4, s7;
	[tilespmem:s8+$0x3000] =	vst.msk vm2, v6  }
0x13a: {  	s4 =	sadd.s32 $0x10, s9;
	vm3 =	vne.s32 v4, $0x0;
	[tilespmem:s8+$0x5880] =	vst.msk vm2, v5  }
0x13b: {  	[tilespmem:s4+$0x8100] =	vst.msk vm3, v6  }
0x13c: {  	[tilespmem:s4+$0xA980] =	vst.msk vm3, v5  }
0x13d: {  	s10 =	simm.s32 $0x10;
	[tilespmem:v7+s13+$0x0] =	vst.idx.add.f32.msk $0xffff, v1  }
0x13e: {  	v5 =	vld [tilespmem:s10+$0x1000];
	_ =	sdelay $0x4  }
0x13f: {  	v4 =	vld [tilespmem:s10+$0x800];
	vm2 =	veq.s32 v5, $0x0  }
0x140: {  	v7 =	vsel vm2, $0x1, v2  }
0x141: {  	(xrf0) =	vadd.scan.msk.s32 $0xffff, v7  }
0x142: {  	v6 =	vld [tilespmem:s10+$0x0];
	_ =	sdelay $0x1  }
0x143: {  	v8 =	vshll.u32 v4, $0x1;
	s7 =	spop (v2sf)  }
0x144: {  	s3 =	simm.s32 $0x80;
	v7 =	vadd.s32 v5, v8;
	s5 =	sadd.s32 s8, s7;
	s6 =	ssub.s32 s4, s7  }
.LBB2_12:
0x145: {  	p0 =	sne.s32 s3, $0x1F00  }
0x146: {  	[tilespmem:s5+$0x3000] =	vst.msk vm2, v6;
	v8, _, _ =	vpop (xrf0);
	s4 =	sadd.s32 $0x10, s6;
	s6 =	smov.u32 s3;
	s3 =	sadd.s32 $0x40, s3  }
0x147: {  	vm3 =	vne.s32 v5, $0x0;
	[tilespmem:s5+$0x5880] =	vst.msk vm2, v4;
	(v2sf) =	vpush v8, $0xF  }
0x148: {  	[tilespmem:s4+$0x8100] =	vst.msk vm3, v6  }
0x149: {  	[tilespmem:s4+$0xA980] =	vst.msk vm3, v4  }
0x14a: {  	s6 =	sshra.s32 s6, $0x2;
	[tilespmem:v7+s13+$0x0] =	vst.idx.add.f32.msk $0xffff, v1  }
0x14b: {  	v5 =	vld [tilespmem:s6+$0x1000];
	_ =	sdelay $0x4  }
0x14c: {  	vm2 =	veq.s32 v5, $0x0  }
0x14d: {  	v4 =	vld [tilespmem:s6+$0x800];
	v6 =	vsel vm2, $0x1, v2  }
0x14e: {  	(xrf0) =	vadd.scan.msk.s32 $0xffff, v6  }
.Ltmp7:
0x14f: {  	v6 =	vld [tilespmem:s6+$0x0];
	(pc) =	sbr.rel @p0 .LBB2_12-.Ltmp7, $3  }
0x150: {  	_ =	sdelay $0x1  }
0x151: {  	v7 =	vshll.u32 v4, $0x1;
	s6 =	spop (v2sf)  }
0x152: {  	v7 =	vadd.s32 v5, v7;
	s5 =	sadd.s32 s5, s6;
	s6 =	ssub.s32 s4, s6  }
0x153: {  	v8, _, _ =	vpop (xrf0)  }
0x154: {  	(v2sf) =	vpush v8, $0xF;
	_ =	sdelay $0xe  }
0x155: {  	s4 =	spop (v2sf)  }
0x156: {  	s8 =	sadd.s32 s5, s4  }
0x157: {  	s3 =	sadd.s32 $0xFF, s8  }
0x158: {  	s7 =	sand.u32 $0xFFFFFF00, s3  }
0x159: {  	s7 =	ssub.s32 s7, s8  }
0x15a: {  	s9 =	sadd.s32 $0xF, s7  }
0x15b: {  	s9 =	sshra.s32 s9, $0x4  }
0x15c: {  	p0 =	slt.s32 s9, $0x1  }
.Ltmp8:
0x15d: {  	[tilespmem:s5+$0x3000] =	vst.msk vm2, v6;
	(pc) =	sbr.rel @p0 .LBB2_16-.Ltmp8, $4  }
0x15e: {  	s6 =	sadd.s32 $0x10, s6;
	vm3 =	vne.s32 v5, $0x0;
	[tilespmem:s5+$0x5880] =	vst.msk vm2, v4  }
0x15f: {  	[tilespmem:s6+$0x8100] =	vst.msk vm3, v6  }
0x160: {  	[tilespmem:s6+$0xA980] =	vst.msk vm3, v4;
	s10 =	ssub.s32 s6, s4  }
0x161: {  	[tilespmem:v7+s13+$0x0] =	vst.idx.add.f32.msk $0xffff, v1;
	s7 =	sadd.s32 $0x10, s10  }
0x162: {  	p0 =	sne.s32 s9, $0x1  }
.Ltmp9:
0x163: {  	s5 =	sshll.u32 s8, $0x2;
	(pc) =	sbr.rel @!p0 .LBB2_16-.Ltmp9, $4  }
0x164: {  	s5 =	sshra.s32 s5, $0x2  }
0x165: {  	s10 =	sadd.s32 $0x3000, s5  }
0x166: {  	s5 =	sadd.s32 $0x5880, s5;
	[tilespmem:s10+$0x0] =	vst v2  }
0x167: {  	s8 =	sadd.s32 $0xFFFFFFFF, s9;
	s9 =	sadd.s32 $0x10, s10;
	[tilespmem:s5+$0x0] =	vst v3  }
.LBB2_15:
0x168: {  	[tilespmem:s9+$0x0] =	vst v2;
	s5 =	sadd.s32 $0x10, s5;
	p0 =	sne.s32 s8, $0x1  }
.Ltmp10:
0x169: {  	s8 =	sadd.s32 $0xFFFFFFFF, s8;
	[tilespmem:s5+$0x0] =	vst v3;
	(pc) =	sbr.rel @p0 .LBB2_15-.Ltmp10, $2  }
0x16a: {  	_ =	sdelay $0x2  }
0x16b: {  	s9 =	sadd.s32 $0x10, s9  }
.LBB2_16:
0x16c: {  	s5 =	sadd.s32 $0xFF, s7  }
0x16d: {  	s8 =	sand.u32 $0xFFFFFF00, s5  }
0x16e: {  	s10 =	ssub.s32 s8, s7  }
0x16f: {  	s7 =	sadd.s32 $0xF, s10  }
0x170: {  	s7 =	sshra.s32 s7, $0x4  }
0x171: {  	p0 =	slt.s32 s7, $0x1  }
.Ltmp11:
0x172: {  	_ = 	snop;
	(pc) =	sbr.rel @p0 .LBB2_19-.Ltmp11, $1  }
0x173: {  	_ =	sdelay $0x3  }
0x174: {  	s6 =	sshll.u32 s6, $0x2;
	s4 =	sshll.u32 s4, $0x2;
	p0 =	sne.s32 s7, $0x1  }
.Ltmp12:
0x175: {  	s4 =	ssub.s32 s6, s4;
	(pc) =	sbr.rel @!p0 .LBB2_19-.Ltmp12, $4  }
0x176: {  	s4 =	sshra.s32 s4, $0x2  }
0x177: {  	s8 =	sadd.s32 $0x8110, s4  }
0x178: {  	s4 =	sadd.s32 $0xA990, s4;
	[tilespmem:s8+$0x0] =	vst v2  }
0x179: {  	s6 =	sadd.s32 $0xFFFFFFFF, s7;
	s7 =	sadd.s32 $0x10, s8;
	[tilespmem:s4+$0x0] =	vst v3  }
.LBB2_18:
0x17a: {  	[tilespmem:s7+$0x0] =	vst v2;
	s4 =	sadd.s32 $0x10, s4;
	p0 =	sne.s32 s6, $0x1  }
.Ltmp13:
0x17b: {  	s6 =	sadd.s32 $0xFFFFFFFF, s6;
	[tilespmem:s4+$0x0] =	vst v3;
	(pc) =	sbr.rel @p0 .LBB2_18-.Ltmp13, $2  }
0x17c: {  	_ =	sdelay $0x2  }
0x17d: {  	s7 =	sadd.s32 $0x10, s7  }
.Ltmp14:
0x17e: {  	_ = 	snop;
	(pc) =	sbr.rel .LBB2_19-.Ltmp14, $1  }
0x17f: {  	_ =	sdelay $0x3  }
.LBB2_20:
0x180: {  	_ =	sfence.sel $0x180000  }
0x181: {  	[bflag:$0x0] =	sbarrier.arrive $0xFFFF  }
0x182: {  	_ =	strace $0x90000047  }
0x183: {  	s0 =	stileid.u32;
	[bflag:$0x2] =	sbarrier.arrive $0xFFFF  }
0x184: {  	p0 =	sne.s32 s0, $0x0;
	s0 =	rddreg [dreg:$0x9]  }
0x185: {  	s0 =	sadd.s32 @!p0 $0x100000, s0  }
0x186: {  	[sflag:s0] =	ssyncadd.tile.s32 @!p0 $0x1;
	_ =	shalt  }
.Lfunc_end2:
_tile_overlayer_lowered:
.L_overlay_start_2:
0x187: {  	(tag) =	ssettag $0x2  }
0x188: {  	s0 =	rddreg [dreg:$0x0];
	s2 =	stileid.u32  }
0x189: {  	s1 =	rddreg [dreg:$0x1];
	p0 =	sne.s32 s2, $0x0  }
0x18a: {  	s3 =	rddreg [dreg:$0x2];
	[bflag:$0x3] =	sbarrier.arrive $0xFFFF;
	s2 =	simm.s32 @!p0 $0x1C03  }
0x18b: {  	[timem:s3], [sflag:s2] =	dma.local @!p0 [hbm:s0], s1  }
0x18c: {  	s0 =	simm.s32 @!p0 $0x3  }
0x18d: {  	_ =	swait.ge @!p0 [sflag:s0], s1  }
0x18e: {  	s1 =	ssub.s32 @!p0 $0x0, s1;
	[sflag:s0] =	ssyncset.done @!p0 $0x0  }
0x18f: {  	[sflag:s0] =	ssyncadd.s32 @!p0 s1  }
0x190: {  	[bflag:$0x3] =	sbarrier.arrive $0xFFFF  }
0x191: {  	_ =	shalt  }

</sc_bundles>
